<compile_context>
chip_gen: v7x
topology: tpu7x:2x2x1
jax: 0.10.2.dev20260603
libtpu: 0.0.44.dev20260713+nightly
codegen_flags: <defaults>
</compile_context>

<pallas_src>
import functools

import jax
import jax.numpy as jnp
from jax import lax
from jax.experimental import pallas as pl
from jax.experimental.pallas import tpu as pltpu
from jax.experimental.pallas import tpu_sc as plsc

B, P = 8, 2048
LATENT = 64
GRID = 50
K_NBR = 64
NW = 32


def _linear(x, w, b):
    return x @ w.T + b



def _fps_level(x, y, z, S, qref):
    N = x.shape[1]
    iota = lax.broadcasted_iota(jnp.int32, (B, N), 1)

    def emit(s, sel):
        xl = jnp.sum(jnp.where(sel, x, 0.0), axis=1, keepdims=True)
        yl = jnp.sum(jnp.where(sel, y, 0.0), axis=1, keepdims=True)
        zl = jnp.sum(jnp.where(sel, z, 0.0), axis=1, keepdims=True)
        qref[pl.ds(s, 1), :, 0:1] = xl[None]
        qref[pl.ds(s, 1), :, 1:2] = yl[None]
        qref[pl.ds(s, 1), :, 2:3] = zl[None]
        return xl, yl, zl

    def step(s, carry):
        mind, last = carry
        xl, yl, zl = emit(s, iota == last)
        dx = x - xl
        dy = y - yl
        dz = z - zl
        d = dx * dx + dy * dy + dz * dz
        mind = jnp.minimum(mind, d)
        m = jnp.max(mind, axis=1, keepdims=True)
        nxt = jnp.min(jnp.where(mind == m, iota, N), axis=1, keepdims=True)
        return mind, nxt

    init = (jnp.full((B, N), 1e30, dtype=jnp.float32),
            jnp.zeros((B, 1), dtype=jnp.int32))
    _, last = lax.fori_loop(0, S - 1, step, init)
    emit(S - 1, iota == last)


def _read_t(qref):
    q = qref[...]
    return (jnp.transpose(q[:, :, 0], (1, 0)),
            jnp.transpose(q[:, :, 1], (1, 0)),
            jnp.transpose(q[:, :, 2], (1, 0)))


def _fps_kernel(pos_ref, q1_ref, q2_ref, q3_ref):
    x, y, z = pos_ref[0], pos_ref[1], pos_ref[2]
    _fps_level(x, y, z, P // 2, q1_ref)
    x1, y1, z1 = _read_t(q1_ref)
    _fps_level(x1, y1, z1, P // 8, q2_ref)
    x2, y2, z2 = _read_t(q2_ref)
    _fps_level(x2, y2, z2, P // 32, q3_ref)


def _fps_all(pos_t):
    return pl.pallas_call(
        _fps_kernel,
        out_shape=[
            jax.ShapeDtypeStruct((P // 2, B, 3), jnp.float32),
            jax.ShapeDtypeStruct((P // 8, B, 3), jnp.float32),
            jax.ShapeDtypeStruct((P // 32, B, 3), jnp.float32),
        ],
    )(pos_t)



import numpy as _np


def _make_sa_kernel(r, has_x, H, C, N, QT, PC):
    rbits = int(_np.float32(r * r).view(_np.int32))

    def sa_kernel(q_ref, p_ref, x_ref, w1x_ref, w1p_ref, b1_ref, w2_ref,
                  b2_ref, out_ref):
        qx = q_ref[0, :, 0:1]
        qy = q_ref[0, :, 1:2]
        qz = q_ref[0, :, 2:3]
        px = jnp.transpose(p_ref[0, :, 0:1], (1, 0))
        py = jnp.transpose(p_ref[0, :, 1:2], (1, 0))
        pz = jnp.transpose(p_ref[0, :, 2:3], (1, 0))
        dx = qx - px
        dy = qy - py
        dz = qz - pz
        d2 = dx * dx + dy * dy + dz * dz
        d2i = lax.bitcast_convert_type(d2, jnp.int32)

        lo = jnp.zeros((QT, 1), jnp.int32)
        hi = jnp.full((QT, 1), rbits + 1, jnp.int32)
        for _ in range(31):
            mid = (lo + hi) >> 1
            c = jnp.sum((d2i <= mid).astype(jnp.float32), axis=1, keepdims=True)
            ge = c >= float(K_NBR)
            hi = jnp.where(ge, mid, hi)
            lo = jnp.where(ge, lo, mid + 1)
        sel = (d2i <= hi) & (d2i <= rbits)

        pp = p_ref[0]
        u = (pp[:, 0:1] * w1p_ref[0:1, :]
             + pp[:, 1:2] * w1p_ref[1:2, :]
             + pp[:, 2:3] * w1p_ref[2:3, :]) + b1_ref[...]
        if has_x:
            u = u + x_ref[0] @ w1x_ref[...]
        v = (qx * w1p_ref[0:1, :] + qy * w1p_ref[1:2, :]
             + qz * w1p_ref[2:3, :])

        w2t = w2_ref[...]
        run = jnp.full((QT, C), -jnp.inf, jnp.float32)
        for j in range(N // PC):
            uc = u[j * PC:(j + 1) * PC]
            a1 = uc[None, :, :] - v[:, None, :]
            r1 = jnp.maximum(a1, 0.0)
            h = (r1.reshape(QT * PC, H) @ w2t).reshape(QT, PC, C)
            ht = jnp.swapaxes(h, 1, 2)
            m3 = sel[:, None, j * PC:(j + 1) * PC]
            ht = jnp.where(m3, ht, -jnp.inf)
            run = jnp.maximum(run, jnp.max(ht, axis=2))
        out = run + b2_ref[...]
        out = jnp.where(out <= -1e8, 0.0, out)
        out_ref[0] = out

    return sa_kernel


def _sa_level(q, p, x, r, w1, b1, w2, b2, PC=32):
    Q, N = q.shape[1], p.shape[1]
    H, C = w1.shape[0], w2.shape[0]
    QT = min(Q, 128)
    has_x = x is not None
    Cx = x.shape[2] if has_x else 0
    w1x = jnp.transpose(w1[:, :Cx], (1, 0)) if has_x else jnp.zeros((1, H), jnp.float32)
    w1p = jnp.transpose(w1[:, Cx:Cx + 3], (1, 0))
    xin = x if has_x else jnp.zeros((B, 1, 1), jnp.float32)
    Cxb = Cx if has_x else 1
    Nxb = N if has_x else 1
    kern = _make_sa_kernel(r, has_x, H, C, N, QT, PC)
    bc = lambda b, t: (0, 0)
    return pl.pallas_call(
        kern,
        grid=(B, Q // QT),
        in_specs=[
            pl.BlockSpec((1, QT, 3), lambda b, t: (b, t, 0)),
            pl.BlockSpec((1, N, 3), lambda b, t: (b, 0, 0)),
            pl.BlockSpec((1, Nxb, Cxb), lambda b, t: (b, 0, 0)),
            pl.BlockSpec((Cxb if has_x else 1, H), bc),
            pl.BlockSpec((3, H), bc),
            pl.BlockSpec((1, H), bc),
            pl.BlockSpec((H, C), bc),
            pl.BlockSpec((1, C), bc),
        ],
        out_specs=pl.BlockSpec((1, QT, C), lambda b, t: (b, t, 0)),
        out_shape=jax.ShapeDtypeStruct((B, Q, C), jnp.float32),
    )(q, p, xin, w1x, w1p, b1[None, :], jnp.transpose(w2, (1, 0)), b2[None, :])


def _encode_all(pos_b, q1, q2, q3, params):
    x1 = _sa_level(q1, pos_b, None, 0.2, params['sa1_w1'], params['sa1_b1'],
                   params['sa1_w2'], params['sa1_b2'])
    x2 = _sa_level(q2, q1, x1, 0.4, params['sa2_w1'], params['sa2_b1'],
                   params['sa2_w2'], params['sa2_b2'])
    x3 = _sa_level(q3, q2, x2, 0.8, params['sa3_w1'], params['sa3_b1'],
                   params['sa3_w2'], params['sa3_b2'])
    return jnp.max(x3, axis=1)


def _sa_x(x, pos_g, q, r, w1, b1, w2, b2):
    d2 = jnp.sum((q[:, None, :] - pos_g[None, :, :]) ** 2, axis=-1)
    neg = jnp.where(d2 <= r * r, -d2, -jnp.inf)
    vals, nbr = lax.top_k(neg, K_NBR)
    valid = vals > -1e30
    rel = pos_g[nbr] - q[:, None, :]
    feat = rel if x is None else jnp.concatenate([x[nbr], rel], axis=-1)
    h = jax.nn.relu(_linear(feat, w1, b1))
    h = _linear(h, w2, b2)
    h = jnp.where(valid[..., None], h, -1e9)
    out = jnp.max(h, axis=1)
    out = jnp.where(out <= -1e8, 0.0, out)
    return out


def _encode_graph_x(pos_g, q1, q2, q3, params):
    x = _sa_x(None, pos_g, q1, 0.2, params['sa1_w1'], params['sa1_b1'], params['sa1_w2'], params['sa1_b2'])
    x = _sa_x(x, q1, q2, 0.4, params['sa2_w1'], params['sa2_b1'], params['sa2_w2'], params['sa2_b2'])
    x = _sa_x(x, q2, q3, 0.8, params['sa3_w1'], params['sa3_b1'], params['sa3_w2'], params['sa3_b2'])
    return jnp.max(x, axis=0)



def _dec_kernel(z_ref, tgt_ref, gx_ref, gy_ref,
                f1w1z_ref, f1w1g_ref, f1b1_ref, f1w2_ref, f1b2_ref, f1w3_ref, f1b3_ref,
                f2w1z_ref, f2w1x_ref, f2b1_ref, f2w2_ref, f2b2_ref, f2w3_ref, f2b3_ref,
                recon_ref, s1_ref, s2_ref):
    z = z_ref[0]
    gx = gx_ref[...]
    gy = gy_ref[...]

    zh = z @ f1w1z_ref[...].T + f1b1_ref[...]
    h = zh + gx * f1w1g_ref[0:1, :] + gy * f1w1g_ref[1:2, :]
    h = jnp.maximum(h, 0.0)
    h = jnp.maximum(h @ f1w2_ref[...].T + f1b2_ref[...], 0.0)
    x1 = h @ f1w3_ref[...].T + f1b3_ref[...]

    zh2 = z @ f2w1z_ref[...].T + f2b1_ref[...]
    h = zh2 + (x1[:, 0:1] * f2w1x_ref[0:1, :]
               + x1[:, 1:2] * f2w1x_ref[1:2, :]
               + x1[:, 2:3] * f2w1x_ref[2:3, :])
    h = jnp.maximum(h, 0.0)
    h = jnp.maximum(h @ f2w2_ref[...].T + f2b2_ref[...], 0.0)
    x2 = h @ f2w3_ref[...].T + f2b3_ref[...]

    recon_ref[0] = x2

    tgt = tgt_ref[0]
    a2 = jnp.sum(x2 * x2, axis=1, keepdims=True)
    b2 = jnp.sum(tgt * tgt, axis=0, keepdims=True)
    dot = (x2[:, 0:1] * tgt[0:1, :]
           + x2[:, 1:2] * tgt[1:2, :]
           + x2[:, 2:3] * tgt[2:3, :])
    d2 = a2 + b2 - 2.0 * dot
    d = jnp.sqrt(jnp.maximum(d2, 0.0) + 1e-12)
    s1_ref[0] = jnp.sum(jnp.min(d, axis=1)).reshape(1, 1)
    s2_ref[0] = jnp.sum(jnp.min(d, axis=0)).reshape(1, 1)


def _decode_chamfer(z, pos_pad, params):
    G2 = GRID * GRID
    xs = jnp.linspace(-0.3, 0.3, GRID)
    gxm, gym = jnp.meshgrid(xs, xs, indexing='ij')
    gx = gxm.ravel()[:, None].astype(jnp.float32)
    gy = gym.ravel()[:, None].astype(jnp.float32)

    f1w1 = params['f1_w1']
    f2w1 = params['f2_w1']
    f1w3 = jnp.zeros((8, 512), jnp.float32).at[:3].set(params['f1_w3'])
    f1b3 = jnp.zeros((1, 8), jnp.float32).at[0, :3].set(params['f1_b3'])
    f2w3 = jnp.zeros((8, 512), jnp.float32).at[:3].set(params['f2_w3'])
    f2b3 = jnp.zeros((1, 8), jnp.float32).at[0, :3].set(params['f2_b3'])

    bcast = lambda b: (0, 0)
    recon, s1, s2 = pl.pallas_call(
        _dec_kernel,
        grid=(B,),
        in_specs=[
            pl.BlockSpec((1, 1, LATENT), lambda b: (b, 0, 0)),
            pl.BlockSpec((1, 8, P), lambda b: (b, 0, 0)),
            pl.BlockSpec((G2, 1), bcast),
            pl.BlockSpec((G2, 1), bcast),
            pl.BlockSpec((512, LATENT), bcast),
            pl.BlockSpec((2, 512), bcast),
            pl.BlockSpec((1, 512), bcast),
            pl.BlockSpec((512, 512), bcast),
            pl.BlockSpec((1, 512), bcast),
            pl.BlockSpec((8, 512), bcast),
            pl.BlockSpec((1, 8), bcast),
            pl.BlockSpec((512, LATENT), bcast),
            pl.BlockSpec((3, 512), bcast),
            pl.BlockSpec((1, 512), bcast),
            pl.BlockSpec((512, 512), bcast),
            pl.BlockSpec((1, 512), bcast),
            pl.BlockSpec((8, 512), bcast),
            pl.BlockSpec((1, 8), bcast),
        ],
        out_specs=[
            pl.BlockSpec((1, G2, 8), lambda b: (b, 0, 0)),
            pl.BlockSpec((1, 1, 1), lambda b: (b, 0, 0)),
            pl.BlockSpec((1, 1, 1), lambda b: (b, 0, 0)),
        ],
        out_shape=[
            jax.ShapeDtypeStruct((B, G2, 8), jnp.float32),
            jax.ShapeDtypeStruct((B, 1, 1), jnp.float32),
            jax.ShapeDtypeStruct((B, 1, 1), jnp.float32),
        ],
    )(
        z[:, None, :], pos_pad, gx, gy,
        f1w1[:, :LATENT], f1w1[:, LATENT:].T, params['f1_b1'][None, :],
        params['f1_w2'], params['f1_b2'][None, :], f1w3, f1b3,
        f2w1[:, :LATENT], f2w1[:, LATENT:].T, params['f2_b1'][None, :],
        params['f2_w2'], params['f2_b2'][None, :], f2w3, f2b3,
    )
    recon = recon[:, :, :3]
    chamfer = jnp.sum(s1) / (B * G2) + jnp.sum(s2) / (B * P)
    return recon, chamfer


def kernel(pos, params, batch):
    pos_b = pos.reshape(B, P, 3)
    pos_t = jnp.transpose(pos_b, (2, 0, 1))
    q1t, q2t, q3t = _fps_all(pos_t)
    q1 = jnp.transpose(q1t, (1, 0, 2))
    q2 = jnp.transpose(q2t, (1, 0, 2))
    q3 = jnp.transpose(q3t, (1, 0, 2))
    pooled = jax.vmap(_encode_graph_x, in_axes=(0, 0, 0, 0, None))(
        pos_b, q1, q2, q3, params)
    mu = _linear(pooled, params['mu_w'], params['mu_b'])
    logvar = _linear(pooled, params['lv_w'], params['lv_b'])
    std = jnp.exp(0.5 * logvar)
    eps = jax.random.normal(jax.random.key(42), mu.shape, dtype=mu.dtype)
    z = mu + std * eps

    pos_pad = jnp.zeros((B, 8, P), jnp.float32).at[:, :3, :].set(
        jnp.transpose(pos_b, (0, 2, 1)))
    recon, chamfer = _decode_chamfer(z, pos_pad, params)

    kl = -0.5 * jnp.mean(jnp.sum(1.0 + logvar - mu ** 2 - jnp.exp(logvar), axis=-1))
    loss = chamfer + 0.001 * kl
    return loss, chamfer, kl, mu, recon

# --- scband reference (transcript-rebuilt; emitter-appended) ---
"""Pipeline reference for scband-point-net-ae-10917806866867 (READ-ONLY COPY).

The authoritative reference and input builder live on the scoring server;
editing this copy changes nothing except your own understanding.
"""

import jax, jax.numpy as jnp
import numpy as np
from jax import lax

B, P = 8, 2048
LATENT = 64
GRID = 50
K_NBR = 64

_PARAM_SHAPES = {
    'sa1_w1': (64, 3), 'sa1_b1': (64,), 'sa1_w2': (64, 64), 'sa1_b2': (64,),
    'sa2_w1': (128, 67), 'sa2_b1': (128,), 'sa2_w2': (128, 128), 'sa2_b2': (128,),
    'sa3_w1': (256, 131), 'sa3_b1': (256,), 'sa3_w2': (256, 256), 'sa3_b2': (256,),
    'mu_w': (64, 256), 'mu_b': (64,), 'lv_w': (64, 256), 'lv_b': (64,),
    'f1_w1': (512, 66), 'f1_b1': (512,), 'f1_w2': (512, 512), 'f1_b2': (512,), 'f1_w3': (3, 512), 'f1_b3': (3,),
    'f2_w1': (512, 67), 'f2_b1': (512,), 'f2_w2': (512, 512), 'f2_b2': (512,), 'f2_w3': (3, 512), 'f2_b3': (3,),
}

def _linear(x, w, b):
    return x @ w.T + b

def setup_inputs(seed: int = 0):
    key = jax.random.key(seed)
    pos = jax.random.normal(jax.random.fold_in(key, 0), (B * P, 3), dtype=jnp.float32)
    batch = jnp.repeat(jnp.arange(B, dtype=jnp.int32), P)
    params = {}
    for i, (name, shp) in enumerate(sorted(_PARAM_SHAPES.items())):
        params[name] = jax.random.normal(jax.random.fold_in(key, 100 + i), shp, dtype=jnp.float32) * 0.05
    return {'pos': pos, 'params': params, 'batch': batch}

def _fps(pos_g, n_sample):
    N = pos_g.shape[0]
    def body(carry, _):
        mind, last = carry
        d = jnp.sum((pos_g - pos_g[last]) ** 2, axis=-1)
        mind = jnp.minimum(mind, d)
        nxt = jnp.argmax(mind).astype(jnp.int32)
        return (mind, nxt), nxt
    init = (jnp.full((N,), 1e30, dtype=pos_g.dtype), jnp.asarray(0, dtype=jnp.int32))
    _, rest = lax.scan(body, init, None, length=n_sample - 1)
    return jnp.concatenate([jnp.zeros((1,), dtype=jnp.int32), rest])

def _sa(x, pos_g, n_sample, r, w1, b1, w2, b2):
    idx = _fps(pos_g, n_sample)
    q = pos_g[idx]
    d2 = jnp.sum((q[:, None, :] - pos_g[None, :, :]) ** 2, axis=-1)
    neg = jnp.where(d2 <= r * r, -d2, -jnp.inf)
    vals, nbr = lax.top_k(neg, K_NBR)
    valid = vals > -1e30
    rel = pos_g[nbr] - q[:, None, :]
    feat = rel if x is None else jnp.concatenate([x[nbr], rel], axis=-1)
    h = jax.nn.relu(_linear(feat, w1, b1))
    h = _linear(h, w2, b2)
    h = jnp.where(valid[..., None], h, -1e9)
    out = jnp.max(h, axis=1)
    out = jnp.where(out <= -1e8, 0.0, out)
    return out, q

def _encode_graph(pos_g, params):
    x, q = _sa(None, pos_g, P // 2, 0.2, params['sa1_w1'], params['sa1_b1'], params['sa1_w2'], params['sa1_b2'])
    x, q = _sa(x, q, P // 8, 0.4, params['sa2_w1'], params['sa2_b1'], params['sa2_w2'], params['sa2_b2'])
    x, q = _sa(x, q, P // 32, 0.8, params['sa3_w1'], params['sa3_b1'], params['sa3_w2'], params['sa3_b2'])
    return jnp.max(x, axis=0)

def _decode(z, params):
    xs = jnp.linspace(-0.3, 0.3, GRID)
    gx, gy = jnp.meshgrid(xs, xs, indexing='ij')
    grid = jnp.stack([gx.ravel(), gy.ravel()], axis=-1)
    Bz = z.shape[0]
    G = grid.shape[0]
    zr = jnp.broadcast_to(z[:, None, :], (Bz, G, z.shape[-1]))
    gr = jnp.broadcast_to(grid[None, :, :], (Bz, G, 2))
    h = jax.nn.relu(_linear(jnp.concatenate([zr, gr], axis=-1), params['f1_w1'], params['f1_b1']))
    h = jax.nn.relu(_linear(h, params['f1_w2'], params['f1_b2']))
    x1 = _linear(h, params['f1_w3'], params['f1_b3'])
    h = jax.nn.relu(_linear(jnp.concatenate([zr, x1], axis=-1), params['f2_w1'], params['f2_b1']))
    h = jax.nn.relu(_linear(h, params['f2_w2'], params['f2_b2']))
    return _linear(h, params['f2_w3'], params['f2_b3'])

def _chamfer(pred, target):
    a2 = jnp.sum(pred ** 2, axis=-1)
    b2 = jnp.sum(target ** 2, axis=-1)
    d2 = a2[:, :, None] + b2[:, None, :] - 2.0 * jnp.einsum('bnd,bmd->bnm', pred, target)
    d = jnp.sqrt(jnp.maximum(d2, 0.0) + 1e-12)
    return jnp.mean(jnp.min(d, axis=2)) + jnp.mean(jnp.min(d, axis=1))

def _forward(pos, params):
    pos_b = pos.reshape(B, P, 3)
    pooled = jax.vmap(_encode_graph, in_axes=(0, None))(pos_b, params)
    mu = _linear(pooled, params['mu_w'], params['mu_b'])
    logvar = _linear(pooled, params['lv_w'], params['lv_b'])
    std = jnp.exp(0.5 * logvar)
    eps = jax.random.normal(jax.random.key(42), mu.shape, dtype=mu.dtype)
    z = mu + std * eps
    recon = _decode(z, params)
    chamfer = _chamfer(recon, pos_b)
    kl = -0.5 * jnp.mean(jnp.sum(1.0 + logvar - mu ** 2 - jnp.exp(logvar), axis=-1))
    loss = chamfer + 0.001 * kl
    return loss, chamfer, kl, mu, recon

def reference(pos, params, batch):
    return _forward(pos, params)

if __name__ == "__main__":
    import jax
    _d = setup_inputs()
    print(jax.jit(kernel)(*tuple(_d.values())))

</pallas_src>

<mosaic_0001>
module attributes {stable_mosaic.version = 14 : i64} {
  func.func @_fps_kernel(%arg0: memref<3x8x2048xf32, #tpu.memory_space<vmem>>, %arg1: memref<1024x8x3xf32, #tpu.memory_space<vmem>>, %arg2: memref<256x8x3xf32, #tpu.memory_space<vmem>>, %arg3: memref<64x8x3xf32, #tpu.memory_space<vmem>>) attributes {dimension_semantics = [], scalar_prefetch = 0 : i64, scratch_operands = 0 : i64, tpu.core_type = #tpu.core_type<tc>} {
    %get3A = arith.constant 0 : index
    %get3A_0 = arith.constant 0 : index
    %get3A_1 = arith.constant 0 : index
    %get3A_2 = vector.load %arg0[%get3A, %get3A_0, %get3A_1] : memref<3x8x2048xf32, #tpu.memory_space<vmem>>, vector<1x8x2048xf32>
    %get3A_3 = vector.shape_cast %get3A_2 : vector<1x8x2048xf32> to vector<8x2048xf32>
    %get3A_4 = arith.constant 1 : index
    %get3A_5 = arith.constant 0 : index
    %get3A_6 = arith.constant 0 : index
    %get3A_7 = vector.load %arg0[%get3A_4, %get3A_5, %get3A_6] : memref<3x8x2048xf32, #tpu.memory_space<vmem>>, vector<1x8x2048xf32>
    %get3A_8 = vector.shape_cast %get3A_7 : vector<1x8x2048xf32> to vector<8x2048xf32>
    %get3A_9 = arith.constant 2 : index
    %get3A_10 = arith.constant 0 : index
    %get3A_11 = arith.constant 0 : index
    %get3A_12 = vector.load %arg0[%get3A_9, %get3A_10, %get3A_11] : memref<3x8x2048xf32, #tpu.memory_space<vmem>>, vector<1x8x2048xf32>
    %get3A_13 = vector.shape_cast %get3A_12 : vector<1x8x2048xf32> to vector<8x2048xf32>
    %iota3A = tpu.iota {dimensions = array<i32: 1>} : vector<8x2048xi32>
    %broadcast_in_dim3A = arith.constant 1.000000e+30 : f32
    %broadcast_in_dim3A_14 = vector.broadcast %broadcast_in_dim3A : f32 to vector<8x2048xf32>
    %broadcast_in_dim3A_15 = arith.constant 0 : i32
    %broadcast_in_dim3A_16 = vector.broadcast %broadcast_in_dim3A_15 : i32 to vector<8x1xi32>
    %scan3A = arith.constant 0 : i32
    %scan3A_17 = arith.constant 1023 : i32
    %scan3A_18 = arith.addi %scan3A, %scan3A_17 : i32
    %scan3A_19 = arith.constant 1 : i32
    %scan3A_20:2 = scf.for %scan3A_167 = %scan3A to %scan3A_18 step %scan3A_19 iter_args(%scan3A_168 = %broadcast_in_dim3A_14, %scan3A_169 = %broadcast_in_dim3A_16) -> (vector<8x2048xf32>, vector<8x1xi32>)  : i32 {
      %eq3A_170 = vector.broadcast %scan3A_169 : vector<8x1xi32> to vector<8x2048xi32>
      %eq3A_171 = arith.cmpi eq, %iota3A, %eq3A_170 : vector<8x2048xi32>
      %jit3A_172 = arith.constant 0.000000e+00 : f32
      %broadcast_in_dim3A_173 = vector.broadcast %jit3A_172 : f32 to vector<8x2048xf32>
      %select_n3A_174 = arith.select %eq3A_171, %get3A_3, %broadcast_in_dim3A_173 : vector<8x2048xi1>, vector<8x2048xf32>
      %reduce_sum3A_175 = arith.constant dense<0.000000e+00> : vector<8xf32>
      %reduce_sum3A_176 = vector.multi_reduction <add>, %select_n3A_174, %reduce_sum3A_175 [1] : vector<8x2048xf32> to vector<8xf32>
      %broadcast_in_dim3A_177 = vector.shape_cast %reduce_sum3A_176 : vector<8xf32> to vector<8x1xf32>
      %jit3A_178 = arith.constant 0.000000e+00 : f32
      %broadcast_in_dim3A_179 = vector.broadcast %jit3A_178 : f32 to vector<8x2048xf32>
      %select_n3A_180 = arith.select %eq3A_171, %get3A_8, %broadcast_in_dim3A_179 : vector<8x2048xi1>, vector<8x2048xf32>
      %reduce_sum3A_181 = arith.constant dense<0.000000e+00> : vector<8xf32>
      %reduce_sum3A_182 = vector.multi_reduction <add>, %select_n3A_180, %reduce_sum3A_181 [1] : vector<8x2048xf32> to vector<8xf32>
      %broadcast_in_dim3A_183 = vector.shape_cast %reduce_sum3A_182 : vector<8xf32> to vector<8x1xf32>
      %jit3A_184 = arith.constant 0.000000e+00 : f32
      %broadcast_in_dim3A_185 = vector.broadcast %jit3A_184 : f32 to vector<8x2048xf32>
      %select_n3A_186 = arith.select %eq3A_171, %get3A_13, %broadcast_in_dim3A_185 : vector<8x2048xi1>, vector<8x2048xf32>
      %reduce_sum3A_187 = arith.constant dense<0.000000e+00> : vector<8xf32>
      %reduce_sum3A_188 = vector.multi_reduction <add>, %select_n3A_186, %reduce_sum3A_187 [1] : vector<8x2048xf32> to vector<8xf32>
      %broadcast_in_dim3A_189 = vector.shape_cast %reduce_sum3A_188 : vector<8xf32> to vector<8x1xf32>
      %broadcast_in_dim3A_190 = vector.shape_cast %broadcast_in_dim3A_177 : vector<8x1xf32> to vector<1x8x1xf32>
      %swap3A_191 = arith.index_cast %scan3A_167 : i32 to index
      %swap3A_192 = arith.constant 0 : index
      %swap3A_193 = arith.constant 0 : index
      %swap3A_194 = vector.load %arg1[%swap3A_191, %swap3A_192, %swap3A_193] : memref<1024x8x3xf32, #tpu.memory_space<vmem>>, vector<1x8x1xf32>
      tpu.vector_store %arg1[%swap3A_191, %swap3A_192, %swap3A_193], %broadcast_in_dim3A_190 {strides = array<i32>} : memref<1024x8x3xf32, #tpu.memory_space<vmem>>, vector<1x8x1xf32>,
      %broadcast_in_dim3A_195 = vector.shape_cast %broadcast_in_dim3A_183 : vector<8x1xf32> to vector<1x8x1xf32>
      %swap3A_196 = arith.index_cast %scan3A_167 : i32 to index
      %swap3A_197 = arith.constant 0 : index
      %swap3A_198 = arith.constant 1 : index
      %swap3A_199 = vector.load %arg1[%swap3A_196, %swap3A_197, %swap3A_198] : memref<1024x8x3xf32, #tpu.memory_space<vmem>>, vector<1x8x1xf32>
      tpu.vector_store %arg1[%swap3A_196, %swap3A_197, %swap3A_198], %broadcast_in_dim3A_195 {strides = array<i32>} : memref<1024x8x3xf32, #tpu.memory_space<vmem>>, vector<1x8x1xf32>,
      %broadcast_in_dim3A_200 = vector.shape_cast %broadcast_in_dim3A_189 : vector<8x1xf32> to vector<1x8x1xf32>
      %swap3A_201 = arith.index_cast %scan3A_167 : i32 to index
      %swap3A_202 = arith.constant 0 : index
      %swap3A_203 = arith.constant 2 : index
      %swap3A_204 = vector.load %arg1[%swap3A_201, %swap3A_202, %swap3A_203] : memref<1024x8x3xf32, #tpu.memory_space<vmem>>, vector<1x8x1xf32>
      tpu.vector_store %arg1[%swap3A_201, %swap3A_202, %swap3A_203], %broadcast_in_dim3A_200 {strides = array<i32>} : memref<1024x8x3xf32, #tpu.memory_space<vmem>>, vector<1x8x1xf32>,
      %sub3A = vector.broadcast %broadcast_in_dim3A_177 : vector<8x1xf32> to vector<8x2048xf32>
      %sub3A_205 = arith.subf %get3A_3, %sub3A : vector<8x2048xf32>
      %sub3A_206 = vector.broadcast %broadcast_in_dim3A_183 : vector<8x1xf32> to vector<8x2048xf32>
      %sub3A_207 = arith.subf %get3A_8, %sub3A_206 : vector<8x2048xf32>
      %sub3A_208 = vector.broadcast %broadcast_in_dim3A_189 : vector<8x1xf32> to vector<8x2048xf32>
      %sub3A_209 = arith.subf %get3A_13, %sub3A_208 : vector<8x2048xf32>
      %mul3A = arith.mulf %sub3A_205, %sub3A_205 : vector<8x2048xf32>
      %mul3A_210 = arith.mulf %sub3A_207, %sub3A_207 : vector<8x2048xf32>
      %add3A = arith.addf %mul3A, %mul3A_210 : vector<8x2048xf32>
      %mul3A_211 = arith.mulf %sub3A_209, %sub3A_209 : vector<8x2048xf32>
      %add3A_212 = arith.addf %add3A, %mul3A_211 : vector<8x2048xf32>
      %min3A = arith.minimumf %scan3A_168, %add3A_212 : vector<8x2048xf32>
      %reduce_max3A = arith.constant dense<0xFF800000> : vector<8xf32>
      %reduce_max3A_213 = vector.multi_reduction <maximumf>, %min3A, %reduce_max3A [1] : vector<8x2048xf32> to vector<8xf32>
      %broadcast_in_dim3A_214 = vector.shape_cast %reduce_max3A_213 : vector<8xf32> to vector<8x1xf32>
      %eq3A_215 = vector.broadcast %broadcast_in_dim3A_214 : vector<8x1xf32> to vector<8x2048xf32>
      %eq3A_216 = arith.cmpf oeq, %min3A, %eq3A_215 : vector<8x2048xf32>
      %jit3A_217 = arith.constant 2048 : i32
      %broadcast_in_dim3A_218 = vector.broadcast %jit3A_217 : i32 to vector<8x2048xi32>
      %select_n3A_219 = arith.select %eq3A_216, %iota3A, %broadcast_in_dim3A_218 : vector<8x2048xi1>, vector<8x2048xi32>
      %reduce_min3A = arith.constant dense<2147483647> : vector<8xi32>
      %reduce_min3A_220 = vector.multi_reduction <minsi>, %select_n3A_219, %reduce_min3A [1] : vector<8x2048xi32> to vector<8xi32>
      %broadcast_in_dim3A_221 = vector.shape_cast %reduce_min3A_220 : vector<8xi32> to vector<8x1xi32>
      scf.yield %min3A, %broadcast_in_dim3A_221 : vector<8x2048xf32>, vector<8x1xi32>
    }
    %scan3A_21 = arith.constant 1023 : i32
    %eq3A = vector.broadcast %scan3A_20#1 : vector<8x1xi32> to vector<8x2048xi32>
    %eq3A_22 = arith.cmpi eq, %iota3A, %eq3A : vector<8x2048xi32>
    %jit3A = arith.constant 0.000000e+00 : f32
    %broadcast_in_dim3A_23 = vector.broadcast %jit3A : f32 to vector<8x2048xf32>
    %select_n3A = arith.select %eq3A_22, %get3A_3, %broadcast_in_dim3A_23 : vector<8x2048xi1>, vector<8x2048xf32>
    %reduce_sum3A = arith.constant dense<0.000000e+00> : vector<8xf32>
    %reduce_sum3A_24 = vector.multi_reduction <add>, %select_n3A, %reduce_sum3A [1] : vector<8x2048xf32> to vector<8xf32>
    %broadcast_in_dim3A_25 = vector.shape_cast %reduce_sum3A_24 : vector<8xf32> to vector<8x1xf32>
    %jit3A_26 = arith.constant 0.000000e+00 : f32
    %broadcast_in_dim3A_27 = vector.broadcast %jit3A_26 : f32 to vector<8x2048xf32>
    %select_n3A_28 = arith.select %eq3A_22, %get3A_8, %broadcast_in_dim3A_27 : vector<8x2048xi1>, vector<8x2048xf32>
    %reduce_sum3A_29 = arith.constant dense<0.000000e+00> : vector<8xf32>
    %reduce_sum3A_30 = vector.multi_reduction <add>, %select_n3A_28, %reduce_sum3A_29 [1] : vector<8x2048xf32> to vector<8xf32>
    %broadcast_in_dim3A_31 = vector.shape_cast %reduce_sum3A_30 : vector<8xf32> to vector<8x1xf32>
    %jit3A_32 = arith.constant 0.000000e+00 : f32
    %broadcast_in_dim3A_33 = vector.broadcast %jit3A_32 : f32 to vector<8x2048xf32>
    %select_n3A_34 = arith.select %eq3A_22, %get3A_13, %broadcast_in_dim3A_33 : vector<8x2048xi1>, vector<8x2048xf32>
    %reduce_sum3A_35 = arith.constant dense<0.000000e+00> : vector<8xf32>
    %reduce_sum3A_36 = vector.multi_reduction <add>, %select_n3A_34, %reduce_sum3A_35 [1] : vector<8x2048xf32> to vector<8xf32>
    %broadcast_in_dim3A_37 = vector.shape_cast %reduce_sum3A_36 : vector<8xf32> to vector<8x1xf32>
    %broadcast_in_dim3A_38 = vector.shape_cast %broadcast_in_dim3A_25 : vector<8x1xf32> to vector<1x8x1xf32>
    %swap3A = arith.constant 1023 : index
    %swap3A_39 = arith.constant 0 : index
    %swap3A_40 = arith.constant 0 : index
    %swap3A_41 = vector.load %arg1[%swap3A, %swap3A_39, %swap3A_40] : memref<1024x8x3xf32, #tpu.memory_space<vmem>>, vector<1x8x1xf32>
    tpu.vector_store %arg1[%swap3A, %swap3A_39, %swap3A_40], %broadcast_in_dim3A_38 {strides = array<i32>} : memref<1024x8x3xf32, #tpu.memory_space<vmem>>, vector<1x8x1xf32>,
    %broadcast_in_dim3A_42 = vector.shape_cast %broadcast_in_dim3A_31 : vector<8x1xf32> to vector<1x8x1xf32>
    %swap3A_43 = arith.constant 1023 : index
    %swap3A_44 = arith.constant 0 : index
    %swap3A_45 = arith.constant 1 : index
    %swap3A_46 = vector.load %arg1[%swap3A_43, %swap3A_44, %swap3A_45] : memref<1024x8x3xf32, #tpu.memory_space<vmem>>, vector<1x8x1xf32>
    tpu.vector_store %arg1[%swap3A_43, %swap3A_44, %swap3A_45], %broadcast_in_dim3A_42 {strides = array<i32>} : memref<1024x8x3xf32, #tpu.memory_space<vmem>>, vector<1x8x1xf32>,
    %broadcast_in_dim3A_47 = vector.shape_cast %broadcast_in_dim3A_37 : vector<8x1xf32> to vector<1x8x1xf32>
    %swap3A_48 = arith.constant 1023 : index
    %swap3A_49 = arith.constant 0 : index
    %swap3A_50 = arith.constant 2 : index
    %swap3A_51 = vector.load %arg1[%swap3A_48, %swap3A_49, %swap3A_50] : memref<1024x8x3xf32, #tpu.memory_space<vmem>>, vector<1x8x1xf32>
    tpu.vector_store %arg1[%swap3A_48, %swap3A_49, %swap3A_50], %broadcast_in_dim3A_47 {strides = array<i32>} : memref<1024x8x3xf32, #tpu.memory_space<vmem>>, vector<1x8x1xf32>,
    %get3A_52 = arith.constant 0 : index
    %get3A_53 = arith.constant 0 : index
    %get3A_54 = arith.constant 0 : index
    %get3A_55 = vector.load %arg1[%get3A_52, %get3A_53, %get3A_54] : memref<1024x8x3xf32, #tpu.memory_space<vmem>>, vector<1024x8x3xf32>
    %slice3A = vector.extract_strided_slice %get3A_55 {offsets = [0, 0, 0], sizes = [1024, 8, 1], strides = [1, 1, 1]} : vector<1024x8x3xf32> to vector<1024x8x1xf32>
    %squeeze3A = vector.shape_cast %slice3A : vector<1024x8x1xf32> to vector<1024x8xf32>
    %transpose3A = tpu.transpose %squeeze3A, [1, 0] : vector<1024x8xf32> -> vector<8x1024xf32>
    %slice3A_56 = vector.extract_strided_slice %get3A_55 {offsets = [0, 0, 1], sizes = [1024, 8, 1], strides = [1, 1, 1]} : vector<1024x8x3xf32> to vector<1024x8x1xf32>
    %squeeze3A_57 = vector.shape_cast %slice3A_56 : vector<1024x8x1xf32> to vector<1024x8xf32>
    %transpose3A_58 = tpu.transpose %squeeze3A_57, [1, 0] : vector<1024x8xf32> -> vector<8x1024xf32>
    %slice3A_59 = vector.extract_strided_slice %get3A_55 {offsets = [0, 0, 2], sizes = [1024, 8, 1], strides = [1, 1, 1]} : vector<1024x8x3xf32> to vector<1024x8x1xf32>
    %squeeze3A_60 = vector.shape_cast %slice3A_59 : vector<1024x8x1xf32> to vector<1024x8xf32>
    %transpose3A_61 = tpu.transpose %squeeze3A_60, [1, 0] : vector<1024x8xf32> -> vector<8x1024xf32>
    %iota3A_62 = tpu.iota {dimensions = array<i32: 1>} : vector<8x1024xi32>
    %broadcast_in_dim3A_63 = arith.constant 1.000000e+30 : f32
    %broadcast_in_dim3A_64 = vector.broadcast %broadcast_in_dim3A_63 : f32 to vector<8x1024xf32>
    %broadcast_in_dim3A_65 = arith.constant 0 : i32
    %broadcast_in_dim3A_66 = vector.broadcast %broadcast_in_dim3A_65 : i32 to vector<8x1xi32>
    %scan3A_67 = arith.constant 0 : i32
    %scan3A_68 = arith.constant 255 : i32
    %scan3A_69 = arith.addi %scan3A_67, %scan3A_68 : i32
    %scan3A_70 = arith.constant 1 : i32
    %scan3A_71:2 = scf.for %scan3A_167 = %scan3A_67 to %scan3A_69 step %scan3A_70 iter_args(%scan3A_168 = %broadcast_in_dim3A_64, %scan3A_169 = %broadcast_in_dim3A_66) -> (vector<8x1024xf32>, vector<8x1xi32>)  : i32 {
      %eq3A_170 = vector.broadcast %scan3A_169 : vector<8x1xi32> to vector<8x1024xi32>
      %eq3A_171 = arith.cmpi eq, %iota3A_62, %eq3A_170 : vector<8x1024xi32>
      %jit3A_172 = arith.constant 0.000000e+00 : f32
      %broadcast_in_dim3A_173 = vector.broadcast %jit3A_172 : f32 to vector<8x1024xf32>
      %select_n3A_174 = arith.select %eq3A_171, %transpose3A, %broadcast_in_dim3A_173 : vector<8x1024xi1>, vector<8x1024xf32>
      %reduce_sum3A_175 = arith.constant dense<0.000000e+00> : vector<8xf32>
      %reduce_sum3A_176 = vector.multi_reduction <add>, %select_n3A_174, %reduce_sum3A_175 [1] : vector<8x1024xf32> to vector<8xf32>
      %broadcast_in_dim3A_177 = vector.shape_cast %reduce_sum3A_176 : vector<8xf32> to vector<8x1xf32>
      %jit3A_178 = arith.constant 0.000000e+00 : f32
      %broadcast_in_dim3A_179 = vector.broadcast %jit3A_178 : f32 to vector<8x1024xf32>
      %select_n3A_180 = arith.select %eq3A_171, %transpose3A_58, %broadcast_in_dim3A_179 : vector<8x1024xi1>, vector<8x1024xf32>
      %reduce_sum3A_181 = arith.constant dense<0.000000e+00> : vector<8xf32>
      %reduce_sum3A_182 = vector.multi_reduction <add>, %select_n3A_180, %reduce_sum3A_181 [1] : vector<8x1024xf32> to vector<8xf32>
      %broadcast_in_dim3A_183 = vector.shape_cast %reduce_sum3A_182 : vector<8xf32> to vector<8x1xf32>
      %jit3A_184 = arith.constant 0.000000e+00 : f32
      %broadcast_in_dim3A_185 = vector.broadcast %jit3A_184 : f32 to vector<8x1024xf32>
      %select_n3A_186 = arith.select %eq3A_171, %transpose3A_61, %broadcast_in_dim3A_185 : vector<8x1024xi1>, vector<8x1024xf32>
      %reduce_sum3A_187 = arith.constant dense<0.000000e+00> : vector<8xf32>
      %reduce_sum3A_188 = vector.multi_reduction <add>, %select_n3A_186, %reduce_sum3A_187 [1] : vector<8x1024xf32> to vector<8xf32>
      %broadcast_in_dim3A_189 = vector.shape_cast %reduce_sum3A_188 : vector<8xf32> to vector<8x1xf32>
      %broadcast_in_dim3A_190 = vector.shape_cast %broadcast_in_dim3A_177 : vector<8x1xf32> to vector<1x8x1xf32>
      %swap3A_191 = arith.index_cast %scan3A_167 : i32 to index
      %swap3A_192 = arith.constant 0 : index
      %swap3A_193 = arith.constant 0 : index
      %swap3A_194 = vector.load %arg2[%swap3A_191, %swap3A_192, %swap3A_193] : memref<256x8x3xf32, #tpu.memory_space<vmem>>, vector<1x8x1xf32>
      tpu.vector_store %arg2[%swap3A_191, %swap3A_192, %swap3A_193], %broadcast_in_dim3A_190 {strides = array<i32>} : memref<256x8x3xf32, #tpu.memory_space<vmem>>, vector<1x8x1xf32>,
      %broadcast_in_dim3A_195 = vector.shape_cast %broadcast_in_dim3A_183 : vector<8x1xf32> to vector<1x8x1xf32>
      %swap3A_196 = arith.index_cast %scan3A_167 : i32 to index
      %swap3A_197 = arith.constant 0 : index
      %swap3A_198 = arith.constant 1 : index
      %swap3A_199 = vector.load %arg2[%swap3A_196, %swap3A_197, %swap3A_198] : memref<256x8x3xf32, #tpu.memory_space<vmem>>, vector<1x8x1xf32>
      tpu.vector_store %arg2[%swap3A_196, %swap3A_197, %swap3A_198], %broadcast_in_dim3A_195 {strides = array<i32>} : memref<256x8x3xf32, #tpu.memory_space<vmem>>, vector<1x8x1xf32>,
      %broadcast_in_dim3A_200 = vector.shape_cast %broadcast_in_dim3A_189 : vector<8x1xf32> to vector<1x8x1xf32>
      %swap3A_201 = arith.index_cast %scan3A_167 : i32 to index
      %swap3A_202 = arith.constant 0 : index
      %swap3A_203 = arith.constant 2 : index
      %swap3A_204 = vector.load %arg2[%swap3A_201, %swap3A_202, %swap3A_203] : memref<256x8x3xf32, #tpu.memory_space<vmem>>, vector<1x8x1xf32>
      tpu.vector_store %arg2[%swap3A_201, %swap3A_202, %swap3A_203], %broadcast_in_dim3A_200 {strides = array<i32>} : memref<256x8x3xf32, #tpu.memory_space<vmem>>, vector<1x8x1xf32>,
      %sub3A = vector.broadcast %broadcast_in_dim3A_177 : vector<8x1xf32> to vector<8x1024xf32>
      %sub3A_205 = arith.subf %transpose3A, %sub3A : vector<8x1024xf32>
      %sub3A_206 = vector.broadcast %broadcast_in_dim3A_183 : vector<8x1xf32> to vector<8x1024xf32>
      %sub3A_207 = arith.subf %transpose3A_58, %sub3A_206 : vector<8x1024xf32>
      %sub3A_208 = vector.broadcast %broadcast_in_dim3A_189 : vector<8x1xf32> to vector<8x1024xf32>
      %sub3A_209 = arith.subf %transpose3A_61, %sub3A_208 : vector<8x1024xf32>
      %mul3A = arith.mulf %sub3A_205, %sub3A_205 : vector<8x1024xf32>
      %mul3A_210 = arith.mulf %sub3A_207, %sub3A_207 : vector<8x1024xf32>
      %add3A = arith.addf %mul3A, %mul3A_210 : vector<8x1024xf32>
      %mul3A_211 = arith.mulf %sub3A_209, %sub3A_209 : vector<8x1024xf32>
      %add3A_212 = arith.addf %add3A, %mul3A_211 : vector<8x1024xf32>
      %min3A = arith.minimumf %scan3A_168, %add3A_212 : vector<8x1024xf32>
      %reduce_max3A = arith.constant dense<0xFF800000> : vector<8xf32>
      %reduce_max3A_213 = vector.multi_reduction <maximumf>, %min3A, %reduce_max3A [1] : vector<8x1024xf32> to vector<8xf32>
      %broadcast_in_dim3A_214 = vector.shape_cast %reduce_max3A_213 : vector<8xf32> to vector<8x1xf32>
      %eq3A_215 = vector.broadcast %broadcast_in_dim3A_214 : vector<8x1xf32> to vector<8x1024xf32>
      %eq3A_216 = arith.cmpf oeq, %min3A, %eq3A_215 : vector<8x1024xf32>
      %jit3A_217 = arith.constant 1024 : i32
      %broadcast_in_dim3A_218 = vector.broadcast %jit3A_217 : i32 to vector<8x1024xi32>
      %select_n3A_219 = arith.select %eq3A_216, %iota3A_62, %broadcast_in_dim3A_218 : vector<8x1024xi1>, vector<8x1024xi32>
      %reduce_min3A = arith.constant dense<2147483647> : vector<8xi32>
      %reduce_min3A_220 = vector.multi_reduction <minsi>, %select_n3A_219, %reduce_min3A [1] : vector<8x1024xi32> to vector<8xi32>
      %broadcast_in_dim3A_221 = vector.shape_cast %reduce_min3A_220 : vector<8xi32> to vector<8x1xi32>
      scf.yield %min3A, %broadcast_in_dim3A_221 : vector<8x1024xf32>, vector<8x1xi32>
    }
    %scan3A_72 = arith.constant 255 : i32
    %eq3A_73 = vector.broadcast %scan3A_71#1 : vector<8x1xi32> to vector<8x1024xi32>
    %eq3A_74 = arith.cmpi eq, %iota3A_62, %eq3A_73 : vector<8x1024xi32>
    %jit3A_75 = arith.constant 0.000000e+00 : f32
    %broadcast_in_dim3A_76 = vector.broadcast %jit3A_75 : f32 to vector<8x1024xf32>
    %select_n3A_77 = arith.select %eq3A_74, %transpose3A, %broadcast_in_dim3A_76 : vector<8x1024xi1>, vector<8x1024xf32>
    %reduce_sum3A_78 = arith.constant dense<0.000000e+00> : vector<8xf32>
    %reduce_sum3A_79 = vector.multi_reduction <add>, %select_n3A_77, %reduce_sum3A_78 [1] : vector<8x1024xf32> to vector<8xf32>
    %broadcast_in_dim3A_80 = vector.shape_cast %reduce_sum3A_79 : vector<8xf32> to vector<8x1xf32>
    %jit3A_81 = arith.constant 0.000000e+00 : f32
    %broadcast_in_dim3A_82 = vector.broadcast %jit3A_81 : f32 to vector<8x1024xf32>
    %select_n3A_83 = arith.select %eq3A_74, %transpose3A_58, %broadcast_in_dim3A_82 : vector<8x1024xi1>, vector<8x1024xf32>
    %reduce_sum3A_84 = arith.constant dense<0.000000e+00> : vector<8xf32>
    %reduce_sum3A_85 = vector.multi_reduction <add>, %select_n3A_83, %reduce_sum3A_84 [1] : vector<8x1024xf32> to vector<8xf32>
    %broadcast_in_dim3A_86 = vector.shape_cast %reduce_sum3A_85 : vector<8xf32> to vector<8x1xf32>
    %jit3A_87 = arith.constant 0.000000e+00 : f32
    %broadcast_in_dim3A_88 = vector.broadcast %jit3A_87 : f32 to vector<8x1024xf32>
    %select_n3A_89 = arith.select %eq3A_74, %transpose3A_61, %broadcast_in_dim3A_88 : vector<8x1024xi1>, vector<8x1024xf32>
    %reduce_sum3A_90 = arith.constant dense<0.000000e+00> : vector<8xf32>
    %reduce_sum3A_91 = vector.multi_reduction <add>, %select_n3A_89, %reduce_sum3A_90 [1] : vector<8x1024xf32> to vector<8xf32>
    %broadcast_in_dim3A_92 = vector.shape_cast %reduce_sum3A_91 : vector<8xf32> to vector<8x1xf32>
    %broadcast_in_dim3A_93 = vector.shape_cast %broadcast_in_dim3A_80 : vector<8x1xf32> to vector<1x8x1xf32>
    %swap3A_94 = arith.constant 255 : index
    %swap3A_95 = arith.constant 0 : index
    %swap3A_96 = arith.constant 0 : index
    %swap3A_97 = vector.load %arg2[%swap3A_94, %swap3A_95, %swap3A_96] : memref<256x8x3xf32, #tpu.memory_space<vmem>>, vector<1x8x1xf32>
    tpu.vector_store %arg2[%swap3A_94, %swap3A_95, %swap3A_96], %broadcast_in_dim3A_93 {strides = array<i32>} : memref<256x8x3xf32, #tpu.memory_space<vmem>>, vector<1x8x1xf32>,
    %broadcast_in_dim3A_98 = vector.shape_cast %broadcast_in_dim3A_86 : vector<8x1xf32> to vector<1x8x1xf32>
    %swap3A_99 = arith.constant 255 : index
    %swap3A_100 = arith.constant 0 : index
    %swap3A_101 = arith.constant 1 : index
    %swap3A_102 = vector.load %arg2[%swap3A_99, %swap3A_100, %swap3A_101] : memref<256x8x3xf32, #tpu.memory_space<vmem>>, vector<1x8x1xf32>
    tpu.vector_store %arg2[%swap3A_99, %swap3A_100, %swap3A_101], %broadcast_in_dim3A_98 {strides = array<i32>} : memref<256x8x3xf32, #tpu.memory_space<vmem>>, vector<1x8x1xf32>,
    %broadcast_in_dim3A_103 = vector.shape_cast %broadcast_in_dim3A_92 : vector<8x1xf32> to vector<1x8x1xf32>
    %swap3A_104 = arith.constant 255 : index
    %swap3A_105 = arith.constant 0 : index
    %swap3A_106 = arith.constant 2 : index
    %swap3A_107 = vector.load %arg2[%swap3A_104, %swap3A_105, %swap3A_106] : memref<256x8x3xf32, #tpu.memory_space<vmem>>, vector<1x8x1xf32>
    tpu.vector_store %arg2[%swap3A_104, %swap3A_105, %swap3A_106], %broadcast_in_dim3A_103 {strides = array<i32>} : memref<256x8x3xf32, #tpu.memory_space<vmem>>, vector<1x8x1xf32>,
    %get3A_108 = arith.constant 0 : index
    %get3A_109 = arith.constant 0 : index
    %get3A_110 = arith.constant 0 : index
    %get3A_111 = vector.load %arg2[%get3A_108, %get3A_109, %get3A_110] : memref<256x8x3xf32, #tpu.memory_space<vmem>>, vector<256x8x3xf32>
    %slice3A_112 = vector.extract_strided_slice %get3A_111 {offsets = [0, 0, 0], sizes = [256, 8, 1], strides = [1, 1, 1]} : vector<256x8x3xf32> to vector<256x8x1xf32>
    %squeeze3A_113 = vector.shape_cast %slice3A_112 : vector<256x8x1xf32> to vector<256x8xf32>
    %transpose3A_114 = tpu.transpose %squeeze3A_113, [1, 0] : vector<256x8xf32> -> vector<8x256xf32>
    %slice3A_115 = vector.extract_strided_slice %get3A_111 {offsets = [0, 0, 1], sizes = [256, 8, 1], strides = [1, 1, 1]} : vector<256x8x3xf32> to vector<256x8x1xf32>
    %squeeze3A_116 = vector.shape_cast %slice3A_115 : vector<256x8x1xf32> to vector<256x8xf32>
    %transpose3A_117 = tpu.transpose %squeeze3A_116, [1, 0] : vector<256x8xf32> -> vector<8x256xf32>
    %slice3A_118 = vector.extract_strided_slice %get3A_111 {offsets = [0, 0, 2], sizes = [256, 8, 1], strides = [1, 1, 1]} : vector<256x8x3xf32> to vector<256x8x1xf32>
    %squeeze3A_119 = vector.shape_cast %slice3A_118 : vector<256x8x1xf32> to vector<256x8xf32>
    %transpose3A_120 = tpu.transpose %squeeze3A_119, [1, 0] : vector<256x8xf32> -> vector<8x256xf32>
    %iota3A_121 = tpu.iota {dimensions = array<i32: 1>} : vector<8x256xi32>
    %broadcast_in_dim3A_122 = arith.constant 1.000000e+30 : f32
    %broadcast_in_dim3A_123 = vector.broadcast %broadcast_in_dim3A_122 : f32 to vector<8x256xf32>
    %broadcast_in_dim3A_124 = arith.constant 0 : i32
    %broadcast_in_dim3A_125 = vector.broadcast %broadcast_in_dim3A_124 : i32 to vector<8x1xi32>
    %scan3A_126 = arith.constant 0 : i32
    %scan3A_127 = arith.constant 63 : i32
    %scan3A_128 = arith.addi %scan3A_126, %scan3A_127 : i32
    %scan3A_129 = arith.constant 1 : i32
    %scan3A_130:2 = scf.for %scan3A_167 = %scan3A_126 to %scan3A_128 step %scan3A_129 iter_args(%scan3A_168 = %broadcast_in_dim3A_123, %scan3A_169 = %broadcast_in_dim3A_125) -> (vector<8x256xf32>, vector<8x1xi32>)  : i32 {
      %eq3A_170 = vector.broadcast %scan3A_169 : vector<8x1xi32> to vector<8x256xi32>
      %eq3A_171 = arith.cmpi eq, %iota3A_121, %eq3A_170 : vector<8x256xi32>
      %jit3A_172 = arith.constant 0.000000e+00 : f32
      %broadcast_in_dim3A_173 = vector.broadcast %jit3A_172 : f32 to vector<8x256xf32>
      %select_n3A_174 = arith.select %eq3A_171, %transpose3A_114, %broadcast_in_dim3A_173 : vector<8x256xi1>, vector<8x256xf32>
      %reduce_sum3A_175 = arith.constant dense<0.000000e+00> : vector<8xf32>
      %reduce_sum3A_176 = vector.multi_reduction <add>, %select_n3A_174, %reduce_sum3A_175 [1] : vector<8x256xf32> to vector<8xf32>
      %broadcast_in_dim3A_177 = vector.shape_cast %reduce_sum3A_176 : vector<8xf32> to vector<8x1xf32>
      %jit3A_178 = arith.constant 0.000000e+00 : f32
      %broadcast_in_dim3A_179 = vector.broadcast %jit3A_178 : f32 to vector<8x256xf32>
      %select_n3A_180 = arith.select %eq3A_171, %transpose3A_117, %broadcast_in_dim3A_179 : vector<8x256xi1>, vector<8x256xf32>
      %reduce_sum3A_181 = arith.constant dense<0.000000e+00> : vector<8xf32>
      %reduce_sum3A_182 = vector.multi_reduction <add>, %select_n3A_180, %reduce_sum3A_181 [1] : vector<8x256xf32> to vector<8xf32>
      %broadcast_in_dim3A_183 = vector.shape_cast %reduce_sum3A_182 : vector<8xf32> to vector<8x1xf32>
      %jit3A_184 = arith.constant 0.000000e+00 : f32
      %broadcast_in_dim3A_185 = vector.broadcast %jit3A_184 : f32 to vector<8x256xf32>
      %select_n3A_186 = arith.select %eq3A_171, %transpose3A_120, %broadcast_in_dim3A_185 : vector<8x256xi1>, vector<8x256xf32>
      %reduce_sum3A_187 = arith.constant dense<0.000000e+00> : vector<8xf32>
      %reduce_sum3A_188 = vector.multi_reduction <add>, %select_n3A_186, %reduce_sum3A_187 [1] : vector<8x256xf32> to vector<8xf32>
      %broadcast_in_dim3A_189 = vector.shape_cast %reduce_sum3A_188 : vector<8xf32> to vector<8x1xf32>
      %broadcast_in_dim3A_190 = vector.shape_cast %broadcast_in_dim3A_177 : vector<8x1xf32> to vector<1x8x1xf32>
      %swap3A_191 = arith.index_cast %scan3A_167 : i32 to index
      %swap3A_192 = arith.constant 0 : index
      %swap3A_193 = arith.constant 0 : index
      %swap3A_194 = vector.load %arg3[%swap3A_191, %swap3A_192, %swap3A_193] : memref<64x8x3xf32, #tpu.memory_space<vmem>>, vector<1x8x1xf32>
      tpu.vector_store %arg3[%swap3A_191, %swap3A_192, %swap3A_193], %broadcast_in_dim3A_190 {strides = array<i32>} : memref<64x8x3xf32, #tpu.memory_space<vmem>>, vector<1x8x1xf32>,
      %broadcast_in_dim3A_195 = vector.shape_cast %broadcast_in_dim3A_183 : vector<8x1xf32> to vector<1x8x1xf32>
      %swap3A_196 = arith.index_cast %scan3A_167 : i32 to index
      %swap3A_197 = arith.constant 0 : index
      %swap3A_198 = arith.constant 1 : index
      %swap3A_199 = vector.load %arg3[%swap3A_196, %swap3A_197, %swap3A_198] : memref<64x8x3xf32, #tpu.memory_space<vmem>>, vector<1x8x1xf32>
      tpu.vector_store %arg3[%swap3A_196, %swap3A_197, %swap3A_198], %broadcast_in_dim3A_195 {strides = array<i32>} : memref<64x8x3xf32, #tpu.memory_space<vmem>>, vector<1x8x1xf32>,
      %broadcast_in_dim3A_200 = vector.shape_cast %broadcast_in_dim3A_189 : vector<8x1xf32> to vector<1x8x1xf32>
      %swap3A_201 = arith.index_cast %scan3A_167 : i32 to index
      %swap3A_202 = arith.constant 0 : index
      %swap3A_203 = arith.constant 2 : index
      %swap3A_204 = vector.load %arg3[%swap3A_201, %swap3A_202, %swap3A_203] : memref<64x8x3xf32, #tpu.memory_space<vmem>>, vector<1x8x1xf32>
      tpu.vector_store %arg3[%swap3A_201, %swap3A_202, %swap3A_203], %broadcast_in_dim3A_200 {strides = array<i32>} : memref<64x8x3xf32, #tpu.memory_space<vmem>>, vector<1x8x1xf32>,
      %sub3A = vector.broadcast %broadcast_in_dim3A_177 : vector<8x1xf32> to vector<8x256xf32>
      %sub3A_205 = arith.subf %transpose3A_114, %sub3A : vector<8x256xf32>
      %sub3A_206 = vector.broadcast %broadcast_in_dim3A_183 : vector<8x1xf32> to vector<8x256xf32>
      %sub3A_207 = arith.subf %transpose3A_117, %sub3A_206 : vector<8x256xf32>
      %sub3A_208 = vector.broadcast %broadcast_in_dim3A_189 : vector<8x1xf32> to vector<8x256xf32>
      %sub3A_209 = arith.subf %transpose3A_120, %sub3A_208 : vector<8x256xf32>
      %mul3A = arith.mulf %sub3A_205, %sub3A_205 : vector<8x256xf32>
      %mul3A_210 = arith.mulf %sub3A_207, %sub3A_207 : vector<8x256xf32>
      %add3A = arith.addf %mul3A, %mul3A_210 : vector<8x256xf32>
      %mul3A_211 = arith.mulf %sub3A_209, %sub3A_209 : vector<8x256xf32>
      %add3A_212 = arith.addf %add3A, %mul3A_211 : vector<8x256xf32>
      %min3A = arith.minimumf %scan3A_168, %add3A_212 : vector<8x256xf32>
      %reduce_max3A = arith.constant dense<0xFF800000> : vector<8xf32>
      %reduce_max3A_213 = vector.multi_reduction <maximumf>, %min3A, %reduce_max3A [1] : vector<8x256xf32> to vector<8xf32>
      %broadcast_in_dim3A_214 = vector.shape_cast %reduce_max3A_213 : vector<8xf32> to vector<8x1xf32>
      %eq3A_215 = vector.broadcast %broadcast_in_dim3A_214 : vector<8x1xf32> to vector<8x256xf32>
      %eq3A_216 = arith.cmpf oeq, %min3A, %eq3A_215 : vector<8x256xf32>
      %jit3A_217 = arith.constant 256 : i32
      %broadcast_in_dim3A_218 = vector.broadcast %jit3A_217 : i32 to vector<8x256xi32>
      %select_n3A_219 = arith.select %eq3A_216, %iota3A_121, %broadcast_in_dim3A_218 : vector<8x256xi1>, vector<8x256xi32>
      %reduce_min3A = arith.constant dense<2147483647> : vector<8xi32>
      %reduce_min3A_220 = vector.multi_reduction <minsi>, %select_n3A_219, %reduce_min3A [1] : vector<8x256xi32> to vector<8xi32>
      %broadcast_in_dim3A_221 = vector.shape_cast %reduce_min3A_220 : vector<8xi32> to vector<8x1xi32>
      scf.yield %min3A, %broadcast_in_dim3A_221 : vector<8x256xf32>, vector<8x1xi32>
    }
    %scan3A_131 = arith.constant 63 : i32
    %eq3A_132 = vector.broadcast %scan3A_130#1 : vector<8x1xi32> to vector<8x256xi32>
    %eq3A_133 = arith.cmpi eq, %iota3A_121, %eq3A_132 : vector<8x256xi32>
    %jit3A_134 = arith.constant 0.000000e+00 : f32
    %broadcast_in_dim3A_135 = vector.broadcast %jit3A_134 : f32 to vector<8x256xf32>
    %select_n3A_136 = arith.select %eq3A_133, %transpose3A_114, %broadcast_in_dim3A_135 : vector<8x256xi1>, vector<8x256xf32>
    %reduce_sum3A_137 = arith.constant dense<0.000000e+00> : vector<8xf32>
    %reduce_sum3A_138 = vector.multi_reduction <add>, %select_n3A_136, %reduce_sum3A_137 [1] : vector<8x256xf32> to vector<8xf32>
    %broadcast_in_dim3A_139 = vector.shape_cast %reduce_sum3A_138 : vector<8xf32> to vector<8x1xf32>
    %jit3A_140 = arith.constant 0.000000e+00 : f32
    %broadcast_in_dim3A_141 = vector.broadcast %jit3A_140 : f32 to vector<8x256xf32>
    %select_n3A_142 = arith.select %eq3A_133, %transpose3A_117, %broadcast_in_dim3A_141 : vector<8x256xi1>, vector<8x256xf32>
    %reduce_sum3A_143 = arith.constant dense<0.000000e+00> : vector<8xf32>
    %reduce_sum3A_144 = vector.multi_reduction <add>, %select_n3A_142, %reduce_sum3A_143 [1] : vector<8x256xf32> to vector<8xf32>
    %broadcast_in_dim3A_145 = vector.shape_cast %reduce_sum3A_144 : vector<8xf32> to vector<8x1xf32>
    %jit3A_146 = arith.constant 0.000000e+00 : f32
    %broadcast_in_dim3A_147 = vector.broadcast %jit3A_146 : f32 to vector<8x256xf32>
    %select_n3A_148 = arith.select %eq3A_133, %transpose3A_120, %broadcast_in_dim3A_147 : vector<8x256xi1>, vector<8x256xf32>
    %reduce_sum3A_149 = arith.constant dense<0.000000e+00> : vector<8xf32>
    %reduce_sum3A_150 = vector.multi_reduction <add>, %select_n3A_148, %reduce_sum3A_149 [1] : vector<8x256xf32> to vector<8xf32>
    %broadcast_in_dim3A_151 = vector.shape_cast %reduce_sum3A_150 : vector<8xf32> to vector<8x1xf32>
    %broadcast_in_dim3A_152 = vector.shape_cast %broadcast_in_dim3A_139 : vector<8x1xf32> to vector<1x8x1xf32>
    %swap3A_153 = arith.constant 63 : index
    %swap3A_154 = arith.constant 0 : index
    %swap3A_155 = arith.constant 0 : index
    %swap3A_156 = vector.load %arg3[%swap3A_153, %swap3A_154, %swap3A_155] : memref<64x8x3xf32, #tpu.memory_space<vmem>>, vector<1x8x1xf32>
    tpu.vector_store %arg3[%swap3A_153, %swap3A_154, %swap3A_155], %broadcast_in_dim3A_152 {strides = array<i32>} : memref<64x8x3xf32, #tpu.memory_space<vmem>>, vector<1x8x1xf32>,
    %broadcast_in_dim3A_157 = vector.shape_cast %broadcast_in_dim3A_145 : vector<8x1xf32> to vector<1x8x1xf32>
    %swap3A_158 = arith.constant 63 : index
    %swap3A_159 = arith.constant 0 : index
    %swap3A_160 = arith.constant 1 : index
    %swap3A_161 = vector.load %arg3[%swap3A_158, %swap3A_159, %swap3A_160] : memref<64x8x3xf32, #tpu.memory_space<vmem>>, vector<1x8x1xf32>
    tpu.vector_store %arg3[%swap3A_158, %swap3A_159, %swap3A_160], %broadcast_in_dim3A_157 {strides = array<i32>} : memref<64x8x3xf32, #tpu.memory_space<vmem>>, vector<1x8x1xf32>,
    %broadcast_in_dim3A_162 = vector.shape_cast %broadcast_in_dim3A_151 : vector<8x1xf32> to vector<1x8x1xf32>
    %swap3A_163 = arith.constant 63 : index
    %swap3A_164 = arith.constant 0 : index
    %swap3A_165 = arith.constant 2 : index
    %swap3A_166 = vector.load %arg3[%swap3A_163, %swap3A_164, %swap3A_165] : memref<64x8x3xf32, #tpu.memory_space<vmem>>, vector<1x8x1xf32>
    tpu.vector_store %arg3[%swap3A_163, %swap3A_164, %swap3A_165], %broadcast_in_dim3A_162 {strides = array<i32>} : memref<64x8x3xf32, #tpu.memory_space<vmem>>, vector<1x8x1xf32>,
    return
  }
}

module attributes {stable_mosaic.version = 14 : i64} {
  func.func @_dec_kernel(%arg0: i32, %arg1: memref<1x1x64xf32, #tpu.memory_space<vmem>>, %arg2: memref<1x8x2048xf32, #tpu.memory_space<vmem>>, %arg3: memref<2500x1xf32, #tpu.memory_space<vmem>>, %arg4: memref<2500x1xf32, #tpu.memory_space<vmem>>, %arg5: memref<512x64xf32, #tpu.memory_space<vmem>>, %arg6: memref<2x512xf32, #tpu.memory_space<vmem>>, %arg7: memref<1x512xf32, #tpu.memory_space<vmem>>, %arg8: memref<512x512xf32, #tpu.memory_space<vmem>>, %arg9: memref<1x512xf32, #tpu.memory_space<vmem>>, %arg10: memref<8x512xf32, #tpu.memory_space<vmem>>, %arg11: memref<1x8xf32, #tpu.memory_space<vmem>>, %arg12: memref<512x64xf32, #tpu.memory_space<vmem>>, %arg13: memref<3x512xf32, #tpu.memory_space<vmem>>, %arg14: memref<1x512xf32, #tpu.memory_space<vmem>>, %arg15: memref<512x512xf32, #tpu.memory_space<vmem>>, %arg16: memref<1x512xf32, #tpu.memory_space<vmem>>, %arg17: memref<8x512xf32, #tpu.memory_space<vmem>>, %arg18: memref<1x8xf32, #tpu.memory_space<vmem>>, %arg19: memref<1x2500x8xf32, #tpu.memory_space<vmem>>, %arg20: memref<1x1x1xf32, #tpu.memory_space<vmem>>, %arg21: memref<1x1x1xf32, #tpu.memory_space<vmem>>) attributes {dimension_semantics = [#tpu.dimension_semantics<arbitrary>], iteration_bounds = array<i64: 8>, scalar_prefetch = 0 : i64, scratch_operands = 0 : i64, tpu.core_type = #tpu.core_type<tc>, window_params = [{transform_indices = @transform_0, window_bounds = array<i64: 1, 1, 64>}, {transform_indices = @transform_1, window_bounds = array<i64: 1, 8, 2048>}, {pipeline_mode = #tpu.pipeline_mode<synchronous>, transform_indices = @transform_2, window_bounds = array<i64: 2500, 1>}, {pipeline_mode = #tpu.pipeline_mode<synchronous>, transform_indices = @transform_3, window_bounds = array<i64: 2500, 1>}, {pipeline_mode = #tpu.pipeline_mode<synchronous>, transform_indices = @transform_4, window_bounds = array<i64: 512, 64>}, {pipeline_mode = #tpu.pipeline_mode<synchronous>, transform_indices = @transform_5, window_bounds = array<i64: 2, 512>}, {pipeline_mode = #tpu.pipeline_mode<synchronous>, transform_indices = @transform_6, window_bounds = array<i64: 1, 512>}, {pipeline_mode = #tpu.pipeline_mode<synchronous>, transform_indices = @transform_7, window_bounds = array<i64: 512, 512>}, {pipeline_mode = #tpu.pipeline_mode<synchronous>, transform_indices = @transform_8, window_bounds = array<i64: 1, 512>}, {pipeline_mode = #tpu.pipeline_mode<synchronous>, transform_indices = @transform_9, window_bounds = array<i64: 8, 512>}, {pipeline_mode = #tpu.pipeline_mode<synchronous>, transform_indices = @transform_10, window_bounds = array<i64: 1, 8>}, {pipeline_mode = #tpu.pipeline_mode<synchronous>, transform_indices = @transform_11, window_bounds = array<i64: 512, 64>}, {pipeline_mode = #tpu.pipeline_mode<synchronous>, transform_indices = @transform_12, window_bounds = array<i64: 3, 512>}, {pipeline_mode = #tpu.pipeline_mode<synchronous>, transform_indices = @transform_13, window_bounds = array<i64: 1, 512>}, {pipeline_mode = #tpu.pipeline_mode<synchronous>, transform_indices = @transform_14, window_bounds = array<i64: 512, 512>}, {pipeline_mode = #tpu.pipeline_mode<synchronous>, transform_indices = @transform_15, window_bounds = array<i64: 1, 512>}, {pipeline_mode = #tpu.pipeline_mode<synchronous>, transform_indices = @transform_16, window_bounds = array<i64: 8, 512>}, {pipeline_mode = #tpu.pipeline_mode<synchronous>, transform_indices = @transform_17, window_bounds = array<i64: 1, 8>}, {transform_indices = @transform_18, window_bounds = array<i64: 1, 2500, 8>}, {transform_indices = @transform_19, window_bounds = array<i64: 1, 1, 1>}, {transform_indices = @transform_20, window_bounds = array<i64: 1, 1, 1>}]} {
    %get3A = arith.constant 0 : index
    %get3A_0 = arith.constant 0 : index
    %get3A_1 = arith.constant 0 : index
    %get3A_2 = vector.load %arg1[%get3A, %get3A_0, %get3A_1] : memref<1x1x64xf32, #tpu.memory_space<vmem>>, vector<1x1x64xf32>
    %get3A_3 = vector.shape_cast %get3A_2 : vector<1x1x64xf32> to vector<1x64xf32>
    %get3A_4 = arith.constant 0 : index
    %get3A_5 = arith.constant 0 : index
    %get3A_6 = vector.load %arg3[%get3A_4, %get3A_5] : memref<2500x1xf32, #tpu.memory_space<vmem>>, vector<2500x1xf32>
    %get3A_7 = arith.constant 0 : index
    %get3A_8 = arith.constant 0 : index
    %get3A_9 = vector.load %arg4[%get3A_7, %get3A_8] : memref<2500x1xf32, #tpu.memory_space<vmem>>, vector<2500x1xf32>
    %get3A_10 = arith.constant 0 : index
    %get3A_11 = arith.constant 0 : index
    %get3A_12 = vector.load %arg5[%get3A_10, %get3A_11] : memref<512x64xf32, #tpu.memory_space<vmem>>, vector<512x64xf32>
    %transpose3A = tpu.transpose %get3A_12, [1, 0] : vector<512x64xf32> -> vector<64x512xf32>
    %dot_general3A = arith.constant dense<0.000000e+00> : vector<1x512xf32>
    %dot_general3A_13 = tpu.matmul %get3A_3, %transpose3A, %dot_general3A {dimension_numbers = #tpu.dot_dimension_numbers<[1], [0], [0], [1], [0, 0, 1, 1], [], []>, transpose_lhs_hint = false} : vector<1x64xf32>, vector<64x512xf32>, vector<1x512xf32> -> vector<1x512xf32>
    %get3A_14 = arith.constant 0 : index
    %get3A_15 = arith.constant 0 : index
    %get3A_16 = vector.load %arg7[%get3A_14, %get3A_15] : memref<1x512xf32, #tpu.memory_space<vmem>>, vector<1x512xf32>
    %add3A = arith.addf %dot_general3A_13, %get3A_16 : vector<1x512xf32>
    %get3A_17 = arith.constant 0 : index
    %get3A_18 = arith.constant 0 : index
    %get3A_19 = vector.load %arg6[%get3A_17, %get3A_18] : memref<2x512xf32, #tpu.memory_space<vmem>>, vector<1x512xf32>
    %mul3A = vector.broadcast %get3A_6 : vector<2500x1xf32> to vector<2500x512xf32>
    %mul3A_20 = vector.broadcast %get3A_19 : vector<1x512xf32> to vector<2500x512xf32>
    %mul3A_21 = arith.mulf %mul3A, %mul3A_20 : vector<2500x512xf32>
    %add3A_22 = vector.broadcast %add3A : vector<1x512xf32> to vector<2500x512xf32>
    %add3A_23 = arith.addf %add3A_22, %mul3A_21 : vector<2500x512xf32>
    %get3A_24 = arith.constant 1 : index
    %get3A_25 = arith.constant 0 : index
    %get3A_26 = vector.load %arg6[%get3A_24, %get3A_25] : memref<2x512xf32, #tpu.memory_space<vmem>>, vector<1x512xf32>
    %mul3A_27 = vector.broadcast %get3A_9 : vector<2500x1xf32> to vector<2500x512xf32>
    %mul3A_28 = vector.broadcast %get3A_26 : vector<1x512xf32> to vector<2500x512xf32>
    %mul3A_29 = arith.mulf %mul3A_27, %mul3A_28 : vector<2500x512xf32>
    %add3A_30 = arith.addf %add3A_23, %mul3A_29 : vector<2500x512xf32>
    %max3A = arith.constant 0.000000e+00 : f32
    %max3A_31 = vector.broadcast %max3A : f32 to vector<2500x512xf32>
    %max3A_32 = arith.maximumf %add3A_30, %max3A_31 : vector<2500x512xf32>
    %get3A_33 = arith.constant 0 : index
    %get3A_34 = arith.constant 0 : index
    %get3A_35 = vector.load %arg8[%get3A_33, %get3A_34] : memref<512x512xf32, #tpu.memory_space<vmem>>, vector<512x512xf32>
    %transpose3A_36 = tpu.transpose %get3A_35, [1, 0] : vector<512x512xf32> -> vector<512x512xf32>
    %dot_general3A_37 = arith.constant dense<0.000000e+00> : vector<2500x512xf32>
    %dot_general3A_38 = tpu.matmul %max3A_32, %transpose3A_36, %dot_general3A_37 {dimension_numbers = #tpu.dot_dimension_numbers<[1], [0], [0], [1], [0, 0, 1, 1], [], []>, transpose_lhs_hint = false} : vector<2500x512xf32>, vector<512x512xf32>, vector<2500x512xf32> -> vector<2500x512xf32>
    %get3A_39 = arith.constant 0 : index
    %get3A_40 = arith.constant 0 : index
    %get3A_41 = vector.load %arg9[%get3A_39, %get3A_40] : memref<1x512xf32, #tpu.memory_space<vmem>>, vector<1x512xf32>
    %add3A_42 = vector.broadcast %get3A_41 : vector<1x512xf32> to vector<2500x512xf32>
    %add3A_43 = arith.addf %dot_general3A_38, %add3A_42 : vector<2500x512xf32>
    %max3A_44 = arith.constant 0.000000e+00 : f32
    %max3A_45 = vector.broadcast %max3A_44 : f32 to vector<2500x512xf32>
    %max3A_46 = arith.maximumf %add3A_43, %max3A_45 : vector<2500x512xf32>
    %get3A_47 = arith.constant 0 : index
    %get3A_48 = arith.constant 0 : index
    %get3A_49 = vector.load %arg10[%get3A_47, %get3A_48] : memref<8x512xf32, #tpu.memory_space<vmem>>, vector<8x512xf32>
    %transpose3A_50 = tpu.transpose %get3A_49, [1, 0] : vector<8x512xf32> -> vector<512x8xf32>
    %dot_general3A_51 = arith.constant dense<0.000000e+00> : vector<2500x8xf32>
    %dot_general3A_52 = tpu.matmul %max3A_46, %transpose3A_50, %dot_general3A_51 {dimension_numbers = #tpu.dot_dimension_numbers<[1], [0], [0], [1], [0, 0, 1, 1], [], []>, transpose_lhs_hint = false} : vector<2500x512xf32>, vector<512x8xf32>, vector<2500x8xf32> -> vector<2500x8xf32>
    %get3A_53 = arith.constant 0 : index
    %get3A_54 = arith.constant 0 : index
    %get3A_55 = vector.load %arg11[%get3A_53, %get3A_54] : memref<1x8xf32, #tpu.memory_space<vmem>>, vector<1x8xf32>
    %add3A_56 = vector.broadcast %get3A_55 : vector<1x8xf32> to vector<2500x8xf32>
    %add3A_57 = arith.addf %dot_general3A_52, %add3A_56 : vector<2500x8xf32>
    %get3A_58 = arith.constant 0 : index
    %get3A_59 = arith.constant 0 : index
    %get3A_60 = vector.load %arg12[%get3A_58, %get3A_59] : memref<512x64xf32, #tpu.memory_space<vmem>>, vector<512x64xf32>
    %transpose3A_61 = tpu.transpose %get3A_60, [1, 0] : vector<512x64xf32> -> vector<64x512xf32>
    %dot_general3A_62 = arith.constant dense<0.000000e+00> : vector<1x512xf32>
    %dot_general3A_63 = tpu.matmul %get3A_3, %transpose3A_61, %dot_general3A_62 {dimension_numbers = #tpu.dot_dimension_numbers<[1], [0], [0], [1], [0, 0, 1, 1], [], []>, transpose_lhs_hint = false} : vector<1x64xf32>, vector<64x512xf32>, vector<1x512xf32> -> vector<1x512xf32>
    %get3A_64 = arith.constant 0 : index
    %get3A_65 = arith.constant 0 : index
    %get3A_66 = vector.load %arg14[%get3A_64, %get3A_65] : memref<1x512xf32, #tpu.memory_space<vmem>>, vector<1x512xf32>
    %add3A_67 = arith.addf %dot_general3A_63, %get3A_66 : vector<1x512xf32>
    %slice3A = vector.extract_strided_slice %add3A_57 {offsets = [0, 0], sizes = [2500, 1], strides = [1, 1]} : vector<2500x8xf32> to vector<2500x1xf32>
    %get3A_68 = arith.constant 0 : index
    %get3A_69 = arith.constant 0 : index
    %get3A_70 = vector.load %arg13[%get3A_68, %get3A_69] : memref<3x512xf32, #tpu.memory_space<vmem>>, vector<1x512xf32>
    %mul3A_71 = vector.broadcast %slice3A : vector<2500x1xf32> to vector<2500x512xf32>
    %mul3A_72 = vector.broadcast %get3A_70 : vector<1x512xf32> to vector<2500x512xf32>
    %mul3A_73 = arith.mulf %mul3A_71, %mul3A_72 : vector<2500x512xf32>
    %slice3A_74 = vector.extract_strided_slice %add3A_57 {offsets = [0, 1], sizes = [2500, 1], strides = [1, 1]} : vector<2500x8xf32> to vector<2500x1xf32>
    %get3A_75 = arith.constant 1 : index
    %get3A_76 = arith.constant 0 : index
    %get3A_77 = vector.load %arg13[%get3A_75, %get3A_76] : memref<3x512xf32, #tpu.memory_space<vmem>>, vector<1x512xf32>
    %mul3A_78 = vector.broadcast %slice3A_74 : vector<2500x1xf32> to vector<2500x512xf32>
    %mul3A_79 = vector.broadcast %get3A_77 : vector<1x512xf32> to vector<2500x512xf32>
    %mul3A_80 = arith.mulf %mul3A_78, %mul3A_79 : vector<2500x512xf32>
    %add3A_81 = arith.addf %mul3A_73, %mul3A_80 : vector<2500x512xf32>
    %slice3A_82 = vector.extract_strided_slice %add3A_57 {offsets = [0, 2], sizes = [2500, 1], strides = [1, 1]} : vector<2500x8xf32> to vector<2500x1xf32>
    %get3A_83 = arith.constant 2 : index
    %get3A_84 = arith.constant 0 : index
    %get3A_85 = vector.load %arg13[%get3A_83, %get3A_84] : memref<3x512xf32, #tpu.memory_space<vmem>>, vector<1x512xf32>
    %mul3A_86 = vector.broadcast %slice3A_82 : vector<2500x1xf32> to vector<2500x512xf32>
    %mul3A_87 = vector.broadcast %get3A_85 : vector<1x512xf32> to vector<2500x512xf32>
    %mul3A_88 = arith.mulf %mul3A_86, %mul3A_87 : vector<2500x512xf32>
    %add3A_89 = arith.addf %add3A_81, %mul3A_88 : vector<2500x512xf32>
    %add3A_90 = vector.broadcast %add3A_67 : vector<1x512xf32> to vector<2500x512xf32>
    %add3A_91 = arith.addf %add3A_90, %add3A_89 : vector<2500x512xf32>
    %max3A_92 = arith.constant 0.000000e+00 : f32
    %max3A_93 = vector.broadcast %max3A_92 : f32 to vector<2500x512xf32>
    %max3A_94 = arith.maximumf %add3A_91, %max3A_93 : vector<2500x512xf32>
    %get3A_95 = arith.constant 0 : index
    %get3A_96 = arith.constant 0 : index
    %get3A_97 = vector.load %arg15[%get3A_95, %get3A_96] : memref<512x512xf32, #tpu.memory_space<vmem>>, vector<512x512xf32>
    %transpose3A_98 = tpu.transpose %get3A_97, [1, 0] : vector<512x512xf32> -> vector<512x512xf32>
    %dot_general3A_99 = arith.constant dense<0.000000e+00> : vector<2500x512xf32>
    %dot_general3A_100 = tpu.matmul %max3A_94, %transpose3A_98, %dot_general3A_99 {dimension_numbers = #tpu.dot_dimension_numbers<[1], [0], [0], [1], [0, 0, 1, 1], [], []>, transpose_lhs_hint = false} : vector<2500x512xf32>, vector<512x512xf32>, vector<2500x512xf32> -> vector<2500x512xf32>
    %get3A_101 = arith.constant 0 : index
    %get3A_102 = arith.constant 0 : index
    %get3A_103 = vector.load %arg16[%get3A_101, %get3A_102] : memref<1x512xf32, #tpu.memory_space<vmem>>, vector<1x512xf32>
    %add3A_104 = vector.broadcast %get3A_103 : vector<1x512xf32> to vector<2500x512xf32>
    %add3A_105 = arith.addf %dot_general3A_100, %add3A_104 : vector<2500x512xf32>
    %max3A_106 = arith.constant 0.000000e+00 : f32
    %max3A_107 = vector.broadcast %max3A_106 : f32 to vector<2500x512xf32>
    %max3A_108 = arith.maximumf %add3A_105, %max3A_107 : vector<2500x512xf32>
    %get3A_109 = arith.constant 0 : index
    %get3A_110 = arith.constant 0 : index
    %get3A_111 = vector.load %arg17[%get3A_109, %get3A_110] : memref<8x512xf32, #tpu.memory_space<vmem>>, vector<8x512xf32>
    %transpose3A_112 = tpu.transpose %get3A_111, [1, 0] : vector<8x512xf32> -> vector<512x8xf32>
    %dot_general3A_113 = arith.constant dense<0.000000e+00> : vector<2500x8xf32>
    %dot_general3A_114 = tpu.matmul %max3A_108, %transpose3A_112, %dot_general3A_113 {dimension_numbers = #tpu.dot_dimension_numbers<[1], [0], [0], [1], [0, 0, 1, 1], [], []>, transpose_lhs_hint = false} : vector<2500x512xf32>, vector<512x8xf32>, vector<2500x8xf32> -> vector<2500x8xf32>
    %get3A_115 = arith.constant 0 : index
    %get3A_116 = arith.constant 0 : index
    %get3A_117 = vector.load %arg18[%get3A_115, %get3A_116] : memref<1x8xf32, #tpu.memory_space<vmem>>, vector<1x8xf32>
    %add3A_118 = vector.broadcast %get3A_117 : vector<1x8xf32> to vector<2500x8xf32>
    %add3A_119 = arith.addf %dot_general3A_114, %add3A_118 : vector<2500x8xf32>
    %swap3A = arith.constant 0 : index
    %swap3A_120 = arith.constant 0 : index
    %swap3A_121 = arith.constant 0 : index
    %swap3A_122 = vector.load %arg19[%swap3A, %swap3A_120, %swap3A_121] : memref<1x2500x8xf32, #tpu.memory_space<vmem>>, vector<1x2500x8xf32>
    %swap3A_123 = vector.shape_cast %swap3A_122 : vector<1x2500x8xf32> to vector<2500x8xf32>
    %swap3A_124 = vector.shape_cast %add3A_119 : vector<2500x8xf32> to vector<1x2500x8xf32>
    tpu.vector_store %arg19[%swap3A, %swap3A_120, %swap3A_121], %swap3A_124 {strides = array<i32>} : memref<1x2500x8xf32, #tpu.memory_space<vmem>>, vector<1x2500x8xf32>,
    %get3A_125 = arith.constant 0 : index
    %get3A_126 = arith.constant 0 : index
    %get3A_127 = arith.constant 0 : index
    %get3A_128 = vector.load %arg2[%get3A_125, %get3A_126, %get3A_127] : memref<1x8x2048xf32, #tpu.memory_space<vmem>>, vector<1x8x2048xf32>
    %get3A_129 = vector.shape_cast %get3A_128 : vector<1x8x2048xf32> to vector<8x2048xf32>
    %mul3A_130 = arith.mulf %add3A_119, %add3A_119 : vector<2500x8xf32>
    %reduce_sum3A = arith.constant dense<0.000000e+00> : vector<2500xf32>
    %reduce_sum3A_131 = vector.multi_reduction <add>, %mul3A_130, %reduce_sum3A [1] : vector<2500x8xf32> to vector<2500xf32>
    %broadcast_in_dim3A = vector.shape_cast %reduce_sum3A_131 : vector<2500xf32> to vector<2500x1xf32>
    %mul3A_132 = arith.mulf %get3A_129, %get3A_129 : vector<8x2048xf32>
    %reduce_sum3A_133 = arith.constant dense<0.000000e+00> : vector<2048xf32>
    %reduce_sum3A_134 = vector.multi_reduction <add>, %mul3A_132, %reduce_sum3A_133 [0] : vector<8x2048xf32> to vector<2048xf32>
    %broadcast_in_dim3A_135 = vector.shape_cast %reduce_sum3A_134 : vector<2048xf32> to vector<1x2048xf32>
    %slice3A_136 = vector.extract_strided_slice %add3A_119 {offsets = [0, 0], sizes = [2500, 1], strides = [1, 1]} : vector<2500x8xf32> to vector<2500x1xf32>
    %slice3A_137 = vector.extract_strided_slice %get3A_129 {offsets = [0, 0], sizes = [1, 2048], strides = [1, 1]} : vector<8x2048xf32> to vector<1x2048xf32>
    %mul3A_138 = vector.broadcast %slice3A_136 : vector<2500x1xf32> to vector<2500x2048xf32>
    %mul3A_139 = vector.broadcast %slice3A_137 : vector<1x2048xf32> to vector<2500x2048xf32>
    %mul3A_140 = arith.mulf %mul3A_138, %mul3A_139 : vector<2500x2048xf32>
    %slice3A_141 = vector.extract_strided_slice %add3A_119 {offsets = [0, 1], sizes = [2500, 1], strides = [1, 1]} : vector<2500x8xf32> to vector<2500x1xf32>
    %slice3A_142 = vector.extract_strided_slice %get3A_129 {offsets = [1, 0], sizes = [1, 2048], strides = [1, 1]} : vector<8x2048xf32> to vector<1x2048xf32>
    %mul3A_143 = vector.broadcast %slice3A_141 : vector<2500x1xf32> to vector<2500x2048xf32>
    %mul3A_144 = vector.broadcast %slice3A_142 : vector<1x2048xf32> to vector<2500x2048xf32>
    %mul3A_145 = arith.mulf %mul3A_143, %mul3A_144 : vector<2500x2048xf32>
    %add3A_146 = arith.addf %mul3A_140, %mul3A_145 : vector<2500x2048xf32>
    %slice3A_147 = vector.extract_strided_slice %add3A_119 {offsets = [0, 2], sizes = [2500, 1], strides = [1, 1]} : vector<2500x8xf32> to vector<2500x1xf32>
    %slice3A_148 = vector.extract_strided_slice %get3A_129 {offsets = [2, 0], sizes = [1, 2048], strides = [1, 1]} : vector<8x2048xf32> to vector<1x2048xf32>
    %mul3A_149 = vector.broadcast %slice3A_147 : vector<2500x1xf32> to vector<2500x2048xf32>
    %mul3A_150 = vector.broadcast %slice3A_148 : vector<1x2048xf32> to vector<2500x2048xf32>
    %mul3A_151 = arith.mulf %mul3A_149, %mul3A_150 : vector<2500x2048xf32>
    %add3A_152 = arith.addf %add3A_146, %mul3A_151 : vector<2500x2048xf32>
    %add3A_153 = vector.broadcast %broadcast_in_dim3A : vector<2500x1xf32> to vector<2500x2048xf32>
    %add3A_154 = vector.broadcast %broadcast_in_dim3A_135 : vector<1x2048xf32> to vector<2500x2048xf32>
    %add3A_155 = arith.addf %add3A_153, %add3A_154 : vector<2500x2048xf32>
    %mul3A_156 = arith.constant 2.000000e+00 : f32
    %mul3A_157 = vector.broadcast %mul3A_156 : f32 to vector<2500x2048xf32>
    %mul3A_158 = arith.mulf %mul3A_157, %add3A_152 : vector<2500x2048xf32>
    %sub3A = arith.subf %add3A_155, %mul3A_158 : vector<2500x2048xf32>
    %max3A_159 = arith.constant 0.000000e+00 : f32
    %max3A_160 = vector.broadcast %max3A_159 : f32 to vector<2500x2048xf32>
    %max3A_161 = arith.maximumf %sub3A, %max3A_160 : vector<2500x2048xf32>
    %add3A_162 = arith.constant 9.99999996E-13 : f32
    %add3A_163 = vector.broadcast %add3A_162 : f32 to vector<2500x2048xf32>
    %add3A_164 = arith.addf %max3A_161, %add3A_163 : vector<2500x2048xf32>
    %sqrt3A = math.sqrt %add3A_164 : vector<2500x2048xf32>
    %reduce_min3A = arith.constant dense<0x7F800000> : vector<2500xf32>
    %reduce_min3A_165 = vector.multi_reduction <minimumf>, %sqrt3A, %reduce_min3A [1] : vector<2500x2048xf32> to vector<2500xf32>
    %reduce_sum3A_166 = vector.shape_cast %reduce_min3A_165 : vector<2500xf32> to vector<1x2500xf32>
    %reduce_sum3A_167 = arith.constant dense<0.000000e+00> : vector<1xf32>
    %reduce_sum3A_168 = vector.multi_reduction <add>, %reduce_sum3A_166, %reduce_sum3A_167 [1] : vector<1x2500xf32> to vector<1xf32>
    %reduce_sum3A_169 = vector.shape_cast %reduce_sum3A_168 : vector<1xf32> to vector<1x1xf32>
    %reduce_sum3A_170 = vector.extract %reduce_sum3A_169[0, 0] : f32 from vector<1x1xf32>
    %reshape3A = vector.broadcast %reduce_sum3A_170 : f32 to vector<1x1xf32>
    %swap3A_171 = arith.constant 0 : index
    %swap3A_172 = arith.constant 0 : index
    %swap3A_173 = arith.constant 0 : index
    %swap3A_174 = vector.load %arg20[%swap3A_171, %swap3A_172, %swap3A_173] : memref<1x1x1xf32, #tpu.memory_space<vmem>>, vector<1x1x1xf32>
    %swap3A_175 = vector.shape_cast %swap3A_174 : vector<1x1x1xf32> to vector<1x1xf32>
    %swap3A_176 = vector.shape_cast %reshape3A : vector<1x1xf32> to vector<1x1x1xf32>
    tpu.vector_store %arg20[%swap3A_171, %swap3A_172, %swap3A_173], %swap3A_176 {strides = array<i32>} : memref<1x1x1xf32, #tpu.memory_space<vmem>>, vector<1x1x1xf32>,
    %reduce_min3A_177 = arith.constant dense<0x7F800000> : vector<2048xf32>
    %reduce_min3A_178 = vector.multi_reduction <minimumf>, %sqrt3A, %reduce_min3A_177 [0] : vector<2500x2048xf32> to vector<2048xf32>
    %reduce_sum3A_179 = vector.shape_cast %reduce_min3A_178 : vector<2048xf32> to vector<1x2048xf32>
    %reduce_sum3A_180 = arith.constant dense<0.000000e+00> : vector<1xf32>
    %reduce_sum3A_181 = vector.multi_reduction <add>, %reduce_sum3A_179, %reduce_sum3A_180 [1] : vector<1x2048xf32> to vector<1xf32>
    %reduce_sum3A_182 = vector.shape_cast %reduce_sum3A_181 : vector<1xf32> to vector<1x1xf32>
    %reduce_sum3A_183 = vector.extract %reduce_sum3A_182[0, 0] : f32 from vector<1x1xf32>
    %reshape3A_184 = vector.broadcast %reduce_sum3A_183 : f32 to vector<1x1xf32>
    %swap3A_185 = arith.constant 0 : index
    %swap3A_186 = arith.constant 0 : index
    %swap3A_187 = arith.constant 0 : index
    %swap3A_188 = vector.load %arg21[%swap3A_185, %swap3A_186, %swap3A_187] : memref<1x1x1xf32, #tpu.memory_space<vmem>>, vector<1x1x1xf32>
    %swap3A_189 = vector.shape_cast %swap3A_188 : vector<1x1x1xf32> to vector<1x1xf32>
    %swap3A_190 = vector.shape_cast %reshape3A_184 : vector<1x1xf32> to vector<1x1x1xf32>
    tpu.vector_store %arg21[%swap3A_185, %swap3A_186, %swap3A_187], %swap3A_190 {strides = array<i32>} : memref<1x1x1xf32, #tpu.memory_space<vmem>>, vector<1x1x1xf32>,
    return
  }
  func.func @transform_0(%arg0: i32) -> (i32, i32, i32) {
    %c0_i32 = arith.constant 0 : i32
    %c0_i32_0 = arith.constant 0 : i32
    %c0_i32_1 = arith.constant 0 : i32
    return %arg0, %c0_i32, %c0_i32_0 : i32, i32, i32
  }
  func.func @transform_1(%arg0: i32) -> (i32, i32, i32) {
    %c0_i32 = arith.constant 0 : i32
    %c0_i32_0 = arith.constant 0 : i32
    %c0_i32_1 = arith.constant 0 : i32
    return %arg0, %c0_i32, %c0_i32_0 : i32, i32, i32
  }
  func.func @transform_2(%arg0: i32) -> (i32, i32) {
    %c0_i32 = arith.constant 0 : i32
    %c0_i32_0 = arith.constant 0 : i32
    %c0_i32_1 = arith.constant 0 : i32
    return %c0_i32, %c0_i32_0 : i32, i32
  }
  func.func @transform_3(%arg0: i32) -> (i32, i32) {
    %c0_i32 = arith.constant 0 : i32
    %c0_i32_0 = arith.constant 0 : i32
    %c0_i32_1 = arith.constant 0 : i32
    return %c0_i32, %c0_i32_0 : i32, i32
  }
  func.func @transform_4(%arg0: i32) -> (i32, i32) {
    %c0_i32 = arith.constant 0 : i32
    %c0_i32_0 = arith.constant 0 : i32
    %c0_i32_1 = arith.constant 0 : i32
    return %c0_i32, %c0_i32_0 : i32, i32
  }
  func.func @transform_5(%arg0: i32) -> (i32, i32) {
    %c0_i32 = arith.constant 0 : i32
    %c0_i32_0 = arith.constant 0 : i32
    %c0_i32_1 = arith.constant 0 : i32
    return %c0_i32, %c0_i32_0 : i32, i32
  }
  func.func @transform_6(%arg0: i32) -> (i32, i32) {
    %c0_i32 = arith.constant 0 : i32
    %c0_i32_0 = arith.constant 0 : i32
    %c0_i32_1 = arith.constant 0 : i32
    return %c0_i32, %c0_i32_0 : i32, i32
  }
  func.func @transform_7(%arg0: i32) -> (i32, i32) {
    %c0_i32 = arith.constant 0 : i32
    %c0_i32_0 = arith.constant 0 : i32
    %c0_i32_1 = arith.constant 0 : i32
    return %c0_i32, %c0_i32_0 : i32, i32
  }
  func.func @transform_8(%arg0: i32) -> (i32, i32) {
    %c0_i32 = arith.constant 0 : i32
    %c0_i32_0 = arith.constant 0 : i32
    %c0_i32_1 = arith.constant 0 : i32
    return %c0_i32, %c0_i32_0 : i32, i32
  }
  func.func @transform_9(%arg0: i32) -> (i32, i32) {
    %c0_i32 = arith.constant 0 : i32
    %c0_i32_0 = arith.constant 0 : i32
    %c0_i32_1 = arith.constant 0 : i32
    return %c0_i32, %c0_i32_0 : i32, i32
  }
  func.func @transform_10(%arg0: i32) -> (i32, i32) {
    %c0_i32 = arith.constant 0 : i32
    %c0_i32_0 = arith.constant 0 : i32
    %c0_i32_1 = arith.constant 0 : i32
    return %c0_i32, %c0_i32_0 : i32, i32
  }
  func.func @transform_11(%arg0: i32) -> (i32, i32) {
    %c0_i32 = arith.constant 0 : i32
    %c0_i32_0 = arith.constant 0 : i32
    %c0_i32_1 = arith.constant 0 : i32
    return %c0_i32, %c0_i32_0 : i32, i32
  }
  func.func @transform_12(%arg0: i32) -> (i32, i32) {
    %c0_i32 = arith.constant 0 : i32
    %c0_i32_0 = arith.constant 0 : i32
    %c0_i32_1 = arith.constant 0 : i32
    return %c0_i32, %c0_i32_0 : i32, i32
  }
  func.func @transform_13(%arg0: i32) -> (i32, i32) {
    %c0_i32 = arith.constant 0 : i32
    %c0_i32_0 = arith.constant 0 : i32
    %c0_i32_1 = arith.constant 0 : i32
    return %c0_i32, %c0_i32_0 : i32, i32
  }
  func.func @transform_14(%arg0: i32) -> (i32, i32) {
    %c0_i32 = arith.constant 0 : i32
    %c0_i32_0 = arith.constant 0 : i32
    %c0_i32_1 = arith.constant 0 : i32
    return %c0_i32, %c0_i32_0 : i32, i32
  }
  func.func @transform_15(%arg0: i32) -> (i32, i32) {
    %c0_i32 = arith.constant 0 : i32
    %c0_i32_0 = arith.constant 0 : i32
    %c0_i32_1 = arith.constant 0 : i32
    return %c0_i32, %c0_i32_0 : i32, i32
  }
  func.func @transform_16(%arg0: i32) -> (i32, i32) {
    %c0_i32 = arith.constant 0 : i32
    %c0_i32_0 = arith.constant 0 : i32
    %c0_i32_1 = arith.constant 0 : i32
    return %c0_i32, %c0_i32_0 : i32, i32
  }
  func.func @transform_17(%arg0: i32) -> (i32, i32) {
    %c0_i32 = arith.constant 0 : i32
    %c0_i32_0 = arith.constant 0 : i32
    %c0_i32_1 = arith.constant 0 : i32
    return %c0_i32, %c0_i32_0 : i32, i32
  }
  func.func @transform_18(%arg0: i32) -> (i32, i32, i32) {
    %c0_i32 = arith.constant 0 : i32
    %c0_i32_0 = arith.constant 0 : i32
    %c0_i32_1 = arith.constant 0 : i32
    return %arg0, %c0_i32, %c0_i32_0 : i32, i32, i32
  }
  func.func @transform_19(%arg0: i32) -> (i32, i32, i32) {
    %c0_i32 = arith.constant 0 : i32
    %c0_i32_0 = arith.constant 0 : i32
    %c0_i32_1 = arith.constant 0 : i32
    return %arg0, %c0_i32, %c0_i32_0 : i32, i32, i32
  }
  func.func @transform_20(%arg0: i32) -> (i32, i32, i32) {
    %c0_i32 = arith.constant 0 : i32
    %c0_i32_0 = arith.constant 0 : i32
    %c0_i32_1 = arith.constant 0 : i32
    return %arg0, %c0_i32, %c0_i32_0 : i32, i32, i32
  }
}

</mosaic_0001>

<sc_bundles>
// kernel: sparse-core-data-format-call.cloned.1.call-start
scs
called_computation_lowered:
.L_overlay_start_0:
0x0: {  	s1 =	sld [smem:$0x3FD9]  }
0x1: {  	s2 =	sld [smem:$0x3FFE];
	_ =	sdelay $0x1  }
0x2: {  	s3 =	srdreg.scid  }
0x3: {  	s0 =	sand.u32 $0x1, s3  }
0x4: {  	s17 =	sshll.u32 s0, $0xA;
	s1 =	sadd.s32 s2, s1  }
0x5: {  	s1 =	sadd.s32 s1, s17  }
0x6: {  	[smem:$0x3FAB] =	sst s1  }
0x7: {  	_ = 	snop  }
0x8: {  	(tm) =	ssettm $0x1  }
0x9: {  	s18 =	sld [smem:$0x3FFB];
	_ =	sdelay $0x3  }
0xa: {  	_ =	strace s18  }
0xb: {  	s1 =	sld [smem:$0x3FFC];
	_ =	sdelay $0x3  }
0xc: {  	_ =	strace s1  }
0xd: {  	s1 =	sld [smem:$0x3FFD];
	_ =	sdelay $0x3  }
0xe: {  	_ =	strace s1  }
0xf: {  	_ =	strace $0x8FFFFFFF  }
0x10: {  	s19 =	sld [smem:$0x3FDB];
	_ =	sdelay $0x1  }
0x11: {  	s20 =	simm.s32 $_scs_section_size  }
0x12: {  	s4 =	simm.s32 $_size__tile_overlayer_lowered;
	s5 =	simm.s32 $_tile_overlayer_lowered  }
0x13: {  	s23 =	simm.s32 $0x1BFF;
	s22 =	sshll.u32 s5, $0x1;
	s1 =	sadd.s32 s20, s19  }
0x14: {  	s6 =	simm.s32 $0x0;
	s21 =	sshll.u32 s4, $0x1;
	s4 =	sadd.s32 s22, s1  }
0x15: {  	[timem:s6], [sflag:s23] =	dma.local [hbm:s4], s21  }
0x16: {  	_ =	swait.ge [sflag:s23], s21  }
0x17: {  	s2 =	ssub.s32 $0x0, s21;
	[sflag:s23] =	ssyncset.done $0x0  }
0x18: {  	[sflag:s23] =	ssyncadd.s32 s2;
	_ =	sdelay $0x1  }
0x19: {  	s24 =	simm.s32 $0x1B8B  }
0x1a: {  	_ =	swait.ge [sflag:s24], $0x1  }
0x1b: {  	[sflag:s24] =	ssyncset.done $0x0  }
0x1c: {  	s26 =	simm.s32 $0x1B8E;
	s25 =	sld [smem:$0x3FFE];
	[sflag:s24] =	ssyncadd.s32 $0xFFFFFFFF  }
0x1d: {  	s27 =	simm.s32 $execute0_lowered;
	[smem:$0x3FD2] =	sst s26  }
0x1e: {  	s4 =	sshll.u32 s27, $0x1;
	_ =	strace $0x80000046;
	[dreg:$0x1] =	wrdreg $0xFFFFFFFF  }
0x1f: {  	s28 =	simm.s32 $_size_execute0_lowered;
	s1 =	sadd.s32 s1, s4;
	[dreg:$0x0] =	wrdreg $0x0  }
0x20: {  	s4 =	sshll.u32 s28, $0x1;
	[dreg:$0x2] =	wrdreg s1  }
0x21: {  	[dreg:$0x3] =	wrdreg s4  }
0x22: {  	[dreg:$0x4] =	wrdreg $0xC0  }
0x23: {  	_ =	task [dreg:s6], $0x5FFFF  }
0x24: {  	[dreg:$0x1] =	wrdreg $0xFFFFFFFF  }
0x25: {  	[dreg:$0x0] =	wrdreg $0x60  }
0x26: {  	[dreg:$0x2] =	wrdreg s25  }
0x27: {  	[dreg:$0x3] =	wrdreg $0x9  }
0x28: {  	_ =	task.clear_ibuf [dreg:s6], $0x4FFFF;
	_ =	strace $0x90000046  }
0x29: {  	s29 =	simm.s32 $0x9;
	_ =	strace $0x80000048  }
0x2a: {  	_ =	swait.ge [sflag:s29], $0x1  }
0x2b: {  	[sflag:s29] =	ssyncadd.s32 $0xFFFFFFFF  }
0x2c: {  	_ =	strace $0x90000048  }
0x2d: {  	_ =	sfence  }
0x2e: {  	s30 =	sld [smem:$0x0];
	_ =	sdelay $0x2  }
0x2f: {  	s31 =	sshll.u32 s3, $0xD;
	s3 =	sshrl.u32 s3, $0x2  }
0x30: {  	s2 =	sand.u32 $0x4000, s31;
	s1 =	sadd.s32 s3, s30  }
0x31: {  	s0 =	sor.u32 s2, s0;
	s1 =	sshll.u32 s1, $0x11  }
0x32: {  	s0 =	sor.u32 s1, s0  }
0x33: {  	s0 =	sadd.s32 $0x8F2B, s0  }
0x34: {  	[sflag:s0] =	ssyncadd.remote.s32 $0x1  }
0x35: {  	_ =	sfence.sel $0xFFFF  }
0x36: {  	[dreg:$0x0] =	wrdreg $0xFFFFFFFF;
	(pc) =	sbr.abs _section_cstart, $3  }
0x37: {  	[dreg:$0x1] =	wrdreg $0xFFFFFFFF  }
0x38: {  	_ =	task.clear_ibuf [dreg:s6], $0x2FFFF;
	_ =	strace $0x9FFFFFFF  }
0x39: {  	(tm) =	ssettm $0x7FFFFFFF  }
tec
execute0_lowered:
.L_overlay_start_1:
0x0: {  	(tag) =	ssettag $0x1  }
0x1: {  	s0 =	stileid.u32;
	s1 =	srdreg.scid  }
0x2: {  	s4 =	rddreg [dreg:$0x0];
	s7 =	simm.s32 $0x1;
	s31 =	simm.s32 $0x2  }
0x3: {  	s16 =	simm.s32 $0x0;
	s2 =	sshll.u32 s0, $0x4;
	s1 =	sshll.u32 s1, $0x8  }
0x4: {  	s9 =	simm.s32 $0x2000;
	s14 =	simm.s32 $0x0;
	s1 =	sor.u32 s2, s1  }
0x5: {  	s15 =	simm.s32 $0x0;
	s10 =	simm.s32 $0x0;
	s2 =	sand.u32 $0x180, s1  }
0x6: {  	s13 =	simm.s32 $0x0;
	s3 =	sadd.s32 $0x2B200, s4;
	s5 =	ssub.s32 $0x400, s2  }
0x7: {  	s4 =	sadd.s32 $0x22B200, s4;
	s1 =	rddreg [dreg:$0x1];
	s6 =	sand.u32 $0x180, s5  }
.Ltmp0:
0x8: {  	_ =	strace $0x80000047;
	p0 =	sne.s32 s6, $0x0;
	(pc) =	sbr.rel .LBB1_1-.Ltmp0, $4  }
0x9: {  	s11 =	smov.u32 s2;
	s8 =	sshrl.u32 s5, $0x9;
	s7 =	simm.s32 @!p0 $0x0  }
0xa: {  	s5 =	sand.u32 $0x7, s0;
	s6 =	simm.s32 $0x1;
	s7 =	sadd.s32 s7, s8  }
0xb: {  	s12 =	smov.u32 s5;
	[sflag:s6] =	ssyncpa.u1 $0x0;
	s7 =	sshll.u32 s7, $0x4  }
0xc: {  	p0 =	por $0x0, $0x0;
	[sflag:s31] =	ssyncpa.u1 $0x0;
	s8 =	sor.u32 $0x1, s7  }
.LBB1_4:
0xd: {  	v5 =	vld [tilespmem:s20+$0xFFFFFFD0];
	[tilespmem:s19+$0x2040 ss:$0x81] =	vst.msk $0xffff, v1  }
0xe: {  	v58 =	vld [tilespmem:s20+$0xFFFFFFE0];
	[tilespmem:s19+$0x2850 ss:$0x81] =	vst.msk $0xffff, v2  }
0xf: {  	s21 =	sshra.s32 s21, $0x2;
	v59 =	vld [tilespmem:s20+$0xFFFFFFF0];
	[tilespmem:s19+$0x3060 ss:$0x81] =	vst.msk $0xffff, v3  }
0x10: {  	v60 =	vld [tilespmem:s20+$0x0];
	[tilespmem:s19+$0x0 ss:$0x81] =	vst.msk $0xffff, v0;
	s18 =	sadd.s32 s21, s18  }
0x11: {  	v61 =	vld [tilespmem:s20+$0x10];
	[tilespmem:s18+$0x3870 ss:$0x81] =	vst.msk $0xffff, v4  }
0x12: {  	v62 =	vld [tilespmem:s20+$0x20];
	s26 =	sshll.u32 s16, $0xA;
	s27 =	sshll.u32 s14, $0x3;
	[tilespmem:s18+$0x810 ss:$0x81] =	vst.msk $0xffff, v5  }
0x13: {  	v63 =	vld [tilespmem:s20+$0xFFFFFFC0];
	s29 =	sshll.u32 s16, $0x7;
	s30 =	sand.u32 $0x78, s14;
	s15 =	sshll.u32 s15, $0x12;
	[tilespmem:s18+$0x1020 ss:$0x81] =	vst.msk $0xffff, v58  }
0x14: {  	s19 =	sand.u32 $0x1FE000, s26;
	s28 =	sand.u32 $0x1FFC00, s27;
	s16 =	sand.u32 $0x380, s29;
	[tilespmem:s18+$0x1830 ss:$0x81] =	vst.msk $0xffff, v59  }
0x15: {  	s31 =	sand.u32 $0x7, s14;
	s19 =	sadd.s32 s28, s19;
	s16 =	sor.u32 s30, s16;
	[tilespmem:s18+$0x2040 ss:$0x81] =	vst.msk $0xffff, v60  }
0x16: {  	s15 =	sadd.s32 s4, s15;
	s19 =	sshrl.u32 s19, $0x3;
	s16 =	sshrl.u32 s16, $0x3;
	[tilespmem:s18+$0x2850 ss:$0x81] =	vst.msk $0xffff, v61  }
0x17: {  	s14 =	sshll.u32 s31, $0x12;
	s19 =	sand.u32 $0x3FF80, s19;
	s15 =	sadd.s32 s16, s15;
	[tilespmem:s18+$0x3060 ss:$0x81] =	vst.msk $0xffff, v62  }
0x18: {  	s14 =	sor.u32 $0x400, s14;
	[tilespmem:s18+$0x0 ss:$0x81] =	vst.msk $0xffff, v63;
	s15 =	sadd.s32 s19, s15  }
0x19: {  	[hbm4b:s15+s14] =	stream.strided.scatter [tilespmem:s17], [sflag:$0x2], $0x4000, s9, s14, $0x20;
	[tilespmem:$0x10100] =	vst v63  }
.LBB1_5:
0x1a: {  	s17 =	sadd.s32 $0x80, s10  }
0x1b: {  	s14 =	sadd.s32 $0x200, s11;
	s18 =	smov.u32 s11;
	p2 =	sgt.s32 s17, $0x7FF  }
0x1c: {  	s18 =	smov.u32 @p2 s14  }
0x1d: {  	s20 =	smov.u32 s12;
	s14 =	sadd.s32 $0x8, s12;
	p3 =	sgt.s32 s18, $0x3FF  }
0x1e: {  	s20 =	smov.u32 @p3 s14  }
0x1f: {  	s17 =	simm.s32 @p2 $0x0;
	p2 =	sgt.s32 s20, $0x7  }
0x20: {  	p1 =	slt.u32 s13, $0x2;
	s20 =	smov.u32 @p2 s5;
	p2 =	sne.s32 s13, s8  }
.Ltmp1:
0x21: {  	s19 =	simm.s32 @!p1 $0x2;
	(pc) =	sbr.rel @!p2 .LBB1_6-.Ltmp1, $4  }
0x22: {  	s16 =	smov.u32 s10;
	s15 =	smov.u32 s12;
	_ =	swait.ge @!p1 [sflag:s19], $0x4000  }
0x23: {  	p0 =	por !p0, !p0;
	[sflag:s19] =	ssyncset.done @!p1 $0x0;
	s10 =	smov.u32 s17  }
0x24: {  	s18 =	smov.u32 @p3 s2;
	s14 =	smov.u32 s11;
	[sflag:s19] =	ssyncadd.s32 @!p1 $0xFFFFC000  }
0x25: {  	s11 =	smov.u32 s18;
	s13 =	sadd.s32 $0x1, s13;
	s12 =	smov.u32 s20  }
.LBB1_1:
0x26: {  	p1 =	sge.u32 s13, s7;
	s31 =	sadd.s32 $0xFFFFFFFF, s13  }
0x27: {  	s17 =	sxor.u32 @!p1 $0xFFFFFFFF, s13;
	s18 =	sand.u32 @!p1 $0x78, s10;
	s19 =	sshll.u32 @!p1 s11, $0xB  }
0x28: {  	s20 =	sshll.u32 @!p1 s11, $0x7;
	s21 =	sshll.u32 @!p1 s10, $0x3;
	s17 =	sshll.u32 @!p1 s17, $0xE  }
0x29: {  	s19 =	sand.u32 @!p1 $0x1FC000, s19;
	s20 =	sand.u32 @!p1 $0x380, s20;
	s17 =	sand.u32 @!p1 $0x4000, s17  }
0x2a: {  	s19 =	sadd.s32 @!p1 s19, s21;
	s21 =	sand.u32 @!p1 $0x400, s21;
	s18 =	sor.u32 @!p1 s20, s18  }
0x2b: {  	s20 =	sshll.u32 @!p1 s12, $0x12;
	s18 =	sor.u32 @!p1 s21, s18;
	s19 =	sshrl.u32 @!p1 s19, $0x3  }
0x2c: {  	s20 =	sadd.s32 @!p1 s3, s20;
	s21 =	sand.u32 @!p1 $0x7, s10;
	s19 =	sand.u32 @!p1 $0x3FF00, s19  }
0x2d: {  	s18 =	sshrl.u32 @!p1 s18, $0x3;
	s19 =	sadd.s32 @!p1 s19, s20;
	s20 =	sshll.u32 @!p1 s21, $0x12  }
0x2e: {  	s18 =	sadd.s32 @!p1 s18, s19;
	s19 =	sor.u32 @!p1 $0x400, s20;
	s20 =	simm.s32 @!p1 $0x4000  }
0x2f: {  	[tilespmem:s17], [sflag:$0x1] =	stream.strided.gather @!p1 [hbm4b:s18+s19], $0x4000, s20, s19, $0x38;
	[tilespmem:$0x10100] =	vst v63  }
0x30: {  	p1 =	sge.u32 s31, s7  }
.Ltmp2:
0x31: {  	_ = 	snop;
	(pc) =	sbr.rel @p1 .LBB1_5-.Ltmp2, $1  }
0x32: {  	_ =	sdelay $0x3  }
0x33: {  	s17 =	simm.s32 $0x1  }
0x34: {  	_ =	swait.ge [sflag:s6], $0x4000;
	s17 =	simm.s32 @!p0 $0x0  }
0x35: {  	[sflag:s6] =	ssyncset.done $0x0;
	s18 =	sshll.u32 s17, $0xE  }
0x36: {  	[sflag:s6] =	ssyncadd.s32 $0xFFFFC000;
	s20 =	sor.u32 $0x40, s18  }
0x37: {  	s17 =	smul.u32 $0x10200, s17;
	v0 =	vld [tilespmem:s20+$0x30]  }
0x38: {  	v3 =	vld [tilespmem:s20+$0xFFFFFFD0]  }
0x39: {  	s17 =	sshrl.u32 s17, $0x2;
	v4 =	vld [tilespmem:s20+$0xFFFFFFE0]  }
0x3a: {  	v5 =	vld [tilespmem:s20+$0xFFFFFFF0];
	s18 =	sor.u32 $0x8000, s17  }
0x3b: {  	s31 =	sand.u32 $0x1, s13;
	v1 =	vld [tilespmem:s20+$0x0];
	s19 =	sadd.s32 $0x0, s18  }
0x3c: {  	v2 =	vld [tilespmem:s20+$0x10];
	s17 =	smul.u32 $0x10200, s31;
	[tilespmem:s19+$0x3870 ss:$0x81] =	vst.msk $0xffff, v0  }
0x3d: {  	[tilespmem:s19+$0x810 ss:$0x81] =	vst.msk $0xffff, v3;
	v3 =	vld [tilespmem:s20+$0x20]  }
0x3e: {  	s17 =	sshrl.u32 s17, $0x2;
	v0 =	vld [tilespmem:s20+$0xFFFFFFC0];
	[tilespmem:s19+$0x1020 ss:$0x81] =	vst.msk $0xffff, v4;
	s20 =	sadd.s32 $0x80, s20  }
0x3f: {  	s21 =	simm.s32 $0x4;
	s22 =	simm.s32 $0x8;
	s17 =	sor.u32 $0x8000, s17;
	[tilespmem:s19+$0x1830 ss:$0x81] =	vst.msk $0xffff, v5;
	v4 =	vld [tilespmem:s20+$0x30]  }
.LBB1_3:
0x40: {  	p1 =	sne.s32 s22, $0x1FC;
	v5 =	vld [tilespmem:s20+$0xFFFFFFD0];
	[tilespmem:s19+$0x2040 ss:$0x81] =	vst.msk $0xffff, v1  }
0x41: {  	v6 =	vld [tilespmem:s20+$0xFFFFFFE0];
	[tilespmem:s19+$0x2850 ss:$0x81] =	vst.msk $0xffff, v2  }
0x42: {  	s23 =	sshra.s32 s21, $0x2;
	s21 =	smov.u32 s22;
	v7 =	vld [tilespmem:s20+$0xFFFFFFF0];
	[tilespmem:s19+$0x3060 ss:$0x81] =	vst.msk $0xffff, v3  }
.Ltmp3:
0x43: {  	v1 =	vld [tilespmem:s20+$0x0];
	[tilespmem:s19+$0x0 ss:$0x81] =	vst.msk $0xffff, v0;
	s19 =	sadd.s32 s23, s18;
	(pc) =	sbr.rel @p1 .LBB1_3-.Ltmp3, $4  }
0x44: {  	v2 =	vld [tilespmem:s20+$0x10];
	[tilespmem:s19+$0x3870 ss:$0x81] =	vst.msk $0xffff, v4  }
0x45: {  	[tilespmem:s19+$0x810 ss:$0x81] =	vst.msk $0xffff, v5;
	v3 =	vld [tilespmem:s20+$0x20]  }
0x46: {  	v0 =	vld [tilespmem:s20+$0xFFFFFFC0];
	[tilespmem:s19+$0x1020 ss:$0x81] =	vst.msk $0xffff, v6;
	s20 =	sadd.s32 $0x80, s20  }
0x47: {  	s22 =	sadd.s32 $0x4, s22;
	v4 =	vld [tilespmem:s20+$0x30];
	[tilespmem:s19+$0x1830 ss:$0x81] =	vst.msk $0xffff, v7  }
.Ltmp4:
0x48: {  	_ = 	snop;
	(pc) =	sbr.rel .LBB1_4-.Ltmp4, $1  }
0x49: {  	_ =	sdelay $0x3  }
.LBB1_6:
0x4a: {  	_ =	sfence.sel $0x180000  }
0x4b: {  	s2 =	simm.s32 $0x1;
	[bflag:$0x0] =	sbarrier.arrive $0xFFFF  }
0x4c: {  	s31 =	simm.s32 $0x2;
	[sflag:s2] =	ssyncpa.u1 $0x1  }
0x4d: {  	[sflag:s31] =	ssyncpa.u1 $0x1  }
0x4e: {  	p0 =	sne.s32 s0, $0x0;
	_ =	strace $0x90000047  }
0x4f: {  	s0 =	sadd.s32 @!p0 $0x100000, s1;
	[bflag:$0x2] =	sbarrier.arrive $0xFFFF  }
0x50: {  	[sflag:s0] =	ssyncadd.tile.s32 @!p0 $0x1;
	_ =	shalt  }
.Lfunc_end1:
_tile_overlayer_lowered:
.L_overlay_start_2:
0x51: {  	(tag) =	ssettag $0x2  }
0x52: {  	s0 =	rddreg [dreg:$0x0];
	s2 =	stileid.u32  }
0x53: {  	s1 =	rddreg [dreg:$0x1];
	p0 =	sne.s32 s2, $0x0  }
0x54: {  	s3 =	rddreg [dreg:$0x2];
	[bflag:$0x3] =	sbarrier.arrive $0xFFFF;
	s2 =	simm.s32 @!p0 $0x1C01  }
0x55: {  	[timem:s3], [sflag:s2] =	dma.local @!p0 [hbm:s0], s1  }
0x56: {  	s0 =	simm.s32 @!p0 $0x1  }
0x57: {  	_ =	swait.ge @!p0 [sflag:s0], s1  }
0x58: {  	s1 =	ssub.s32 @!p0 $0x0, s1;
	[sflag:s0] =	ssyncset.done @!p0 $0x0  }
0x59: {  	[sflag:s0] =	ssyncadd.s32 @!p0 s1  }
0x5a: {  	[bflag:$0x3] =	sbarrier.arrive $0xFFFF  }
0x5b: {  	_ =	shalt  }

</sc_bundles>
